<compile_context>
chip_gen: v7x
topology: tpu7x:2x2x1
jax: 0.10.2.dev20260603
libtpu: 0.0.44.dev20260713+nightly
codegen_flags: <defaults>
</compile_context>

<pallas_src>
import functools

import jax
import jax.numpy as jnp
from jax import lax
from jax.experimental import pallas as pl
from jax.experimental.pallas import tpu as pltpu
from jax.experimental.pallas import tpu_sc as plsc

EMBED = 128
SEQ = 200
NW = 32
CH = 64
NBUF = 8



def _prep_body(xn_ref, xp_ref, xpb_ref, xrt_ref, wcat_ref, cidx_ref, tf_ref):
    j = lax.broadcasted_iota(jnp.int32, (136, EMBED), 0)
    k = lax.broadcasted_iota(jnp.int32, (136, EMBED), 1)
    g = ((k == j // 27).astype(jnp.float32)
         + (k == 5 + (j // 9) % 3).astype(jnp.float32)
         + (k == 8 + (j // 3) % 3).astype(jnp.float32)
         + (k == 11 + j % 3).astype(jnp.float32))
    g = jnp.where(j < 135, g, 0.0)
    tf_ref[...] = jnp.dot(g, wcat_ref[...], preferred_element_type=jnp.float32)
    cidx_ref[...] = ((xn_ref[...] * 3 + xp_ref[...]) * 3
                     + xpb_ref[...]) * 3 + xrt_ref[...]


def _prep(xn, xp, xpb, xrt, wcat):
    b = xn.shape[0]
    bs = min(b, 1024)
    idx_spec = pl.BlockSpec((bs, SEQ), lambda i: (i, 0))
    return pl.pallas_call(
        _prep_body,
        grid=(b // bs,),
        in_specs=[idx_spec, idx_spec, idx_spec, idx_spec,
                  pl.BlockSpec((EMBED, EMBED), lambda i: (0, 0))],
        out_specs=[pl.BlockSpec((bs, SEQ), lambda i: (i, 0)),
                   pl.BlockSpec((136, EMBED), lambda i: (0, 0))],
        out_shape=[jax.ShapeDtypeStruct((b, SEQ), jnp.int32),
                   jax.ShapeDtypeStruct((136, EMBED), jnp.float32)],
    )(xn, xp, xpb, xrt, wcat)



def _sc_body(tf_hbm, idx_hbm, out_hbm, tf_v, idx_v, *rest):
    bufs = rest[:NBUF]
    gsems = rest[NBUF:2 * NBUF]
    ssems = rest[2 * NBUF:3 * NBUF]
    nrows = idx_hbm.shape[0] // NW
    nch = nrows // CH
    sid = lax.axis_index("s")
    wid = sid * 2 + lax.axis_index("c")
    base = wid * nrows

    @pl.when(sid == 0)
    def _():
        pltpu.sync_copy(tf_hbm, tf_v)
    plsc.subcore_barrier()
    pltpu.sync_copy(idx_hbm.at[pl.ds(base, nrows)], idx_v)

    def start_gather(j, b):
        sl = idx_v.at[pl.ds(j * CH, CH)]
        pltpu.async_copy(tf_v.at[sl], bufs[b], gsems[b])

    for b in range(NBUF):
        start_gather(b, b)

    def rnd(t, carry):
        for b in range(NBUF):
            j = NBUF * t + b
            pltpu.make_async_copy(tf_v.at[idx_v.at[pl.ds(0, CH)]],
                                  bufs[b], gsems[b]).wait()
            pltpu.async_copy(bufs[b],
                             out_hbm.at[pl.ds(base + j * CH, CH)], ssems[b])

            @pl.when(j + NBUF < nch)
            def _():
                pltpu.make_async_copy(
                    bufs[b], out_hbm.at[pl.ds(0, CH)], ssems[b]).wait()
                start_gather(j + NBUF, b)
        return carry

    lax.fori_loop(0, nch // NBUF, rnd, 0)
    for b in range(NBUF):
        pltpu.make_async_copy(bufs[b], out_hbm.at[pl.ds(0, CH)],
                              ssems[b]).wait()


def _sc_expand(tf, cidx_flat):
    n = cidx_flat.shape[0]
    nrows = n // NW
    mesh = plsc.VectorSubcoreMesh(core_axis_name="c", subcore_axis_name="s")
    f = functools.partial(
        pl.kernel,
        mesh=mesh,
        out_type=jax.ShapeDtypeStruct((n, EMBED), jnp.float32),
        scratch_types=(
            [pltpu.VMEM_SHARED((136, EMBED), jnp.float32),
             pltpu.VMEM((nrows,), jnp.int32)]
            + [pltpu.VMEM((CH, EMBED), jnp.float32)] * NBUF
            + [pltpu.SemaphoreType.DMA] * (2 * NBUF)
        ),
    )(_sc_body)
    return f(tf, cidx_flat)


@jax.jit
def kernel(X_nucl, X_proto, X_pbs, X_rt, We, Wproto, Wpbs, Wrt):
    B, L = X_nucl.shape
    xn = X_nucl.astype(jnp.int32)
    xp = X_proto.astype(jnp.int32)
    xpb = X_pbs.astype(jnp.int32)
    xrt = X_rt.astype(jnp.int32)
    wcat = jnp.zeros((EMBED, EMBED), jnp.float32)
    wcat = wcat.at[0:5].set(We).at[5:8].set(Wproto)
    wcat = wcat.at[8:11].set(Wpbs).at[11:14].set(Wrt)

    cidx, tf = _prep(xn, xp, xpb, xrt, wcat)
    out_sc = _sc_expand(tf, cidx.reshape(B * SEQ))
    return out_sc.reshape(B, SEQ, EMBED)

# --- scband reference (transcript-rebuilt; emitter-appended) ---
"""Pipeline reference for scband-annot-embeder-init-seq-8229157339326 (READ-ONLY COPY).

The authoritative reference and input builder live on the scoring server;
editing this copy changes nothing except your own understanding.
"""

import jax, jax.numpy as jnp
import numpy as np

EMBED_DIM = 128
ANNOT_EMBED = 128
NUM_NUCL = 4
NUM_INDIC = 2
B, L = 4096, 200


def setup_inputs(seed: int = 0) -> dict:
    key = jax.random.key(seed)
    k1, k2, k3, k4, k5, k6, k7, k8 = jax.random.split(key, 8)
    X_nucl = jax.random.randint(k1, (B, L), 0, NUM_NUCL + 1, dtype=jnp.int64 if jax.config.jax_enable_x64 else jnp.int32)
    X_proto = jax.random.randint(k2, (B, L), 0, NUM_INDIC + 1, dtype=X_nucl.dtype)
    X_pbs = jax.random.randint(k3, (B, L), 0, NUM_INDIC + 1, dtype=X_nucl.dtype)
    X_rt = jax.random.randint(k4, (B, L), 0, NUM_INDIC + 1, dtype=X_nucl.dtype)
    We = jax.random.normal(k5, (NUM_NUCL + 1, EMBED_DIM), dtype=jnp.float32)
    Wproto = jax.random.normal(k6, (NUM_INDIC + 1, ANNOT_EMBED), dtype=jnp.float32)
    Wpbs = jax.random.normal(k7, (NUM_INDIC + 1, ANNOT_EMBED), dtype=jnp.float32)
    Wrt = jax.random.normal(k8, (NUM_INDIC + 1, ANNOT_EMBED), dtype=jnp.float32)
    # padding_idx rows are zero (torch nn.Embedding padding_idx semantics)
    We = We.at[NUM_NUCL].set(0.0)
    Wproto = Wproto.at[NUM_INDIC].set(0.0)
    Wpbs = Wpbs.at[NUM_INDIC].set(0.0)
    Wrt = Wrt.at[NUM_INDIC].set(0.0)
    return {"X_nucl": X_nucl, "X_proto": X_proto, "X_pbs": X_pbs, "X_rt": X_rt,
            "We": We, "Wproto": Wproto, "Wpbs": Wpbs, "Wrt": Wrt}


def reference(X_nucl, X_proto, X_pbs, X_rt, We, Wproto, Wpbs, Wrt):
    # assemb_opt == 'add'
    out = (jnp.take(We, X_nucl, axis=0)
           + jnp.take(Wproto, X_proto, axis=0)
           + jnp.take(Wpbs, X_pbs, axis=0)
           + jnp.take(Wrt, X_rt, axis=0))
    return out

if __name__ == "__main__":
    import jax
    _d = setup_inputs()
    print(jax.jit(kernel)(*tuple(_d.values())))

</pallas_src>

<mosaic_0001>
#map = affine_map<(d0, d1) -> (0, 0)>
#map1 = affine_map<(d0, d1) -> (0)>
module attributes {stable_mosaic.version = 14 : i64} {
  func.func @_sc_body(%arg0: i32, %arg1: i32, %arg2: memref<136x128xf32, #tpu.memory_space<hbm>>, %arg3: memref<819200xi32, #tpu.memory_space<hbm>>, %arg4: memref<819200x128xf32, #tpu.memory_space<hbm>>, %arg5: memref<136x128xf32, #tpu.memory_space<vmem_shared>>, %arg6: memref<25600xi32, #tpu.memory_space<vmem>>, %arg7: memref<64x128xf32, #tpu.memory_space<vmem>>, %arg8: memref<64x128xf32, #tpu.memory_space<vmem>>, %arg9: memref<64x128xf32, #tpu.memory_space<vmem>>, %arg10: memref<64x128xf32, #tpu.memory_space<vmem>>, %arg11: memref<64x128xf32, #tpu.memory_space<vmem>>, %arg12: memref<64x128xf32, #tpu.memory_space<vmem>>, %arg13: memref<64x128xf32, #tpu.memory_space<vmem>>, %arg14: memref<64x128xf32, #tpu.memory_space<vmem>>, %arg15: memref<!tpu.dma_semaphore, #tpu.memory_space<semaphore_mem>>, %arg16: memref<!tpu.dma_semaphore, #tpu.memory_space<semaphore_mem>>, %arg17: memref<!tpu.dma_semaphore, #tpu.memory_space<semaphore_mem>>, %arg18: memref<!tpu.dma_semaphore, #tpu.memory_space<semaphore_mem>>, %arg19: memref<!tpu.dma_semaphore, #tpu.memory_space<semaphore_mem>>, %arg20: memref<!tpu.dma_semaphore, #tpu.memory_space<semaphore_mem>>, %arg21: memref<!tpu.dma_semaphore, #tpu.memory_space<semaphore_mem>>, %arg22: memref<!tpu.dma_semaphore, #tpu.memory_space<semaphore_mem>>, %arg23: memref<!tpu.dma_semaphore, #tpu.memory_space<semaphore_mem>>, %arg24: memref<!tpu.dma_semaphore, #tpu.memory_space<semaphore_mem>>, %arg25: memref<!tpu.dma_semaphore, #tpu.memory_space<semaphore_mem>>, %arg26: memref<!tpu.dma_semaphore, #tpu.memory_space<semaphore_mem>>, %arg27: memref<!tpu.dma_semaphore, #tpu.memory_space<semaphore_mem>>, %arg28: memref<!tpu.dma_semaphore, #tpu.memory_space<semaphore_mem>>, %arg29: memref<!tpu.dma_semaphore, #tpu.memory_space<semaphore_mem>>, %arg30: memref<!tpu.dma_semaphore, #tpu.memory_space<semaphore_mem>>) attributes {dimension_semantics = [#tpu.dimension_semantics<core_parallel>, #tpu.dimension_semantics<subcore_parallel>], iteration_bounds = array<i64: 2, 16>, scalar_prefetch = 0 : i64, scratch_operands = 26 : i64, tpu.core_type = #tpu.core_type<sc_vector_subcore>, window_params = [{transform_indices = #map}, {transform_indices = #map1}, {transform_indices = #map}]} {
    %mul3A = arith.constant 2 : i32
    %mul3A_0 = arith.muli %arg1, %mul3A : i32
    %add3A = arith.addi %mul3A_0, %arg0 : i32
    %mul3A_1 = arith.constant 25600 : i32
    %mul3A_2 = arith.muli %add3A, %mul3A_1 : i32
    %eq3A = arith.constant 0 : i32
    %eq3A_3 = arith.cmpi eq, %arg1, %eq3A : i32
    %convert_element_type3A = arith.extui %eq3A_3 : i1 to i32
    %cond3A = arith.constant 0 : i32
    %cond3A_4 = arith.cmpi ne, %convert_element_type3A, %cond3A : i32
    scf.if %cond3A_4 {
      "tpu.region"() ({
        %run_scoped3A = tpu.sem_alloc : memref<!tpu.dma_semaphore, #tpu.memory_space<semaphore_mem>>
        tpu.enqueue_dma source(%arg2 : memref<136x128xf32, #tpu.memory_space<hbm>>) target(%arg5 : memref<136x128xf32, #tpu.memory_space<vmem_shared>>) target_semaphore(%run_scoped3A : memref<!tpu.dma_semaphore, #tpu.memory_space<semaphore_mem>>)
        tpu.wait_dma2 semaphore(%run_scoped3A : memref<!tpu.dma_semaphore, #tpu.memory_space<semaphore_mem>>) src(%arg2 : memref<136x128xf32, #tpu.memory_space<hbm>>) dst(%arg5 : memref<136x128xf32, #tpu.memory_space<vmem_shared>>)
        tpu.yield
      }) : () -> ()
    } else {
    }
    %barrier3A = arith.constant 0 : index
    tpu.barrier barrier_id(%barrier3A)
    "tpu.region"() ({
      %run_scoped3A = tpu.sem_alloc : memref<!tpu.dma_semaphore, #tpu.memory_space<semaphore_mem>>
      %dma_start3A_96 = tpu.memref_slice %arg3[%mul3A_2] : memref<819200xi32, #tpu.memory_space<hbm>> -> memref<25600xi32, #tpu.memory_space<hbm>>
      %dma_start3A_97 = tpu.memref_slice %arg3[%mul3A_2] : memref<819200xi32, #tpu.memory_space<hbm>> -> memref<25600xi32, #tpu.memory_space<hbm>>
      tpu.enqueue_dma source(%dma_start3A_97 : memref<25600xi32, #tpu.memory_space<hbm>>) target(%arg6 : memref<25600xi32, #tpu.memory_space<vmem>>) target_semaphore(%run_scoped3A : memref<!tpu.dma_semaphore, #tpu.memory_space<semaphore_mem>>)
      %dma_wait3A_98 = tpu.memref_slice %arg3[%mul3A_2] : memref<819200xi32, #tpu.memory_space<hbm>> -> memref<25600xi32, #tpu.memory_space<hbm>>
      %dma_wait3A_99 = tpu.memref_slice %arg3[%mul3A_2] : memref<819200xi32, #tpu.memory_space<hbm>> -> memref<25600xi32, #tpu.memory_space<hbm>>
      tpu.wait_dma2 semaphore(%run_scoped3A : memref<!tpu.dma_semaphore, #tpu.memory_space<semaphore_mem>>) src(%dma_wait3A_99 : memref<25600xi32, #tpu.memory_space<hbm>>) dst(%arg6 : memref<25600xi32, #tpu.memory_space<vmem>>)
      tpu.yield
    }) : () -> ()
    %dma_start3A = arith.constant 0 : i32
    %dma_start3A_5 = tpu.memref_slice %arg6[%dma_start3A] : memref<25600xi32, #tpu.memory_space<vmem>> -> memref<64xi32, #tpu.memory_space<vmem>>
    %dma_start3A_6 = arith.constant 0 : i32
    %dma_start3A_7 = arith.constant 0 : i32
    %dma_start3A_8 = tpu.memref_slice %arg5[%dma_start3A_6, %dma_start3A_7] : memref<136x128xf32, #tpu.memory_space<vmem_shared>> -> memref<136x128xf32, #tpu.memory_space<vmem_shared>>
    tpu.enqueue_indirect_dma source(%dma_start3A_8 : memref<136x128xf32, #tpu.memory_space<vmem_shared>>) target(%arg7 : memref<64x128xf32, #tpu.memory_space<vmem>>) offsets(%dma_start3A_5 : memref<64xi32, #tpu.memory_space<vmem>>) semaphore(%arg15 : memref<!tpu.dma_semaphore, #tpu.memory_space<semaphore_mem>>)
    %dma_start3A_9 = arith.constant 64 : i32
    %dma_start3A_10 = tpu.memref_slice %arg6[%dma_start3A_9] : memref<25600xi32, #tpu.memory_space<vmem>> -> memref<64xi32, #tpu.memory_space<vmem>>
    %dma_start3A_11 = arith.constant 0 : i32
    %dma_start3A_12 = arith.constant 0 : i32
    %dma_start3A_13 = tpu.memref_slice %arg5[%dma_start3A_11, %dma_start3A_12] : memref<136x128xf32, #tpu.memory_space<vmem_shared>> -> memref<136x128xf32, #tpu.memory_space<vmem_shared>>
    tpu.enqueue_indirect_dma source(%dma_start3A_13 : memref<136x128xf32, #tpu.memory_space<vmem_shared>>) target(%arg8 : memref<64x128xf32, #tpu.memory_space<vmem>>) offsets(%dma_start3A_10 : memref<64xi32, #tpu.memory_space<vmem>>) semaphore(%arg16 : memref<!tpu.dma_semaphore, #tpu.memory_space<semaphore_mem>>)
    %dma_start3A_14 = arith.constant 128 : i32
    %dma_start3A_15 = tpu.memref_slice %arg6[%dma_start3A_14] : memref<25600xi32, #tpu.memory_space<vmem>> -> memref<64xi32, #tpu.memory_space<vmem>>
    %dma_start3A_16 = arith.constant 0 : i32
    %dma_start3A_17 = arith.constant 0 : i32
    %dma_start3A_18 = tpu.memref_slice %arg5[%dma_start3A_16, %dma_start3A_17] : memref<136x128xf32, #tpu.memory_space<vmem_shared>> -> memref<136x128xf32, #tpu.memory_space<vmem_shared>>
    tpu.enqueue_indirect_dma source(%dma_start3A_18 : memref<136x128xf32, #tpu.memory_space<vmem_shared>>) target(%arg9 : memref<64x128xf32, #tpu.memory_space<vmem>>) offsets(%dma_start3A_15 : memref<64xi32, #tpu.memory_space<vmem>>) semaphore(%arg17 : memref<!tpu.dma_semaphore, #tpu.memory_space<semaphore_mem>>)
    %dma_start3A_19 = arith.constant 192 : i32
    %dma_start3A_20 = tpu.memref_slice %arg6[%dma_start3A_19] : memref<25600xi32, #tpu.memory_space<vmem>> -> memref<64xi32, #tpu.memory_space<vmem>>
    %dma_start3A_21 = arith.constant 0 : i32
    %dma_start3A_22 = arith.constant 0 : i32
    %dma_start3A_23 = tpu.memref_slice %arg5[%dma_start3A_21, %dma_start3A_22] : memref<136x128xf32, #tpu.memory_space<vmem_shared>> -> memref<136x128xf32, #tpu.memory_space<vmem_shared>>
    tpu.enqueue_indirect_dma source(%dma_start3A_23 : memref<136x128xf32, #tpu.memory_space<vmem_shared>>) target(%arg10 : memref<64x128xf32, #tpu.memory_space<vmem>>) offsets(%dma_start3A_20 : memref<64xi32, #tpu.memory_space<vmem>>) semaphore(%arg18 : memref<!tpu.dma_semaphore, #tpu.memory_space<semaphore_mem>>)
    %dma_start3A_24 = arith.constant 256 : i32
    %dma_start3A_25 = tpu.memref_slice %arg6[%dma_start3A_24] : memref<25600xi32, #tpu.memory_space<vmem>> -> memref<64xi32, #tpu.memory_space<vmem>>
    %dma_start3A_26 = arith.constant 0 : i32
    %dma_start3A_27 = arith.constant 0 : i32
    %dma_start3A_28 = tpu.memref_slice %arg5[%dma_start3A_26, %dma_start3A_27] : memref<136x128xf32, #tpu.memory_space<vmem_shared>> -> memref<136x128xf32, #tpu.memory_space<vmem_shared>>
    tpu.enqueue_indirect_dma source(%dma_start3A_28 : memref<136x128xf32, #tpu.memory_space<vmem_shared>>) target(%arg11 : memref<64x128xf32, #tpu.memory_space<vmem>>) offsets(%dma_start3A_25 : memref<64xi32, #tpu.memory_space<vmem>>) semaphore(%arg19 : memref<!tpu.dma_semaphore, #tpu.memory_space<semaphore_mem>>)
    %dma_start3A_29 = arith.constant 320 : i32
    %dma_start3A_30 = tpu.memref_slice %arg6[%dma_start3A_29] : memref<25600xi32, #tpu.memory_space<vmem>> -> memref<64xi32, #tpu.memory_space<vmem>>
    %dma_start3A_31 = arith.constant 0 : i32
    %dma_start3A_32 = arith.constant 0 : i32
    %dma_start3A_33 = tpu.memref_slice %arg5[%dma_start3A_31, %dma_start3A_32] : memref<136x128xf32, #tpu.memory_space<vmem_shared>> -> memref<136x128xf32, #tpu.memory_space<vmem_shared>>
    tpu.enqueue_indirect_dma source(%dma_start3A_33 : memref<136x128xf32, #tpu.memory_space<vmem_shared>>) target(%arg12 : memref<64x128xf32, #tpu.memory_space<vmem>>) offsets(%dma_start3A_30 : memref<64xi32, #tpu.memory_space<vmem>>) semaphore(%arg20 : memref<!tpu.dma_semaphore, #tpu.memory_space<semaphore_mem>>)
    %dma_start3A_34 = arith.constant 384 : i32
    %dma_start3A_35 = tpu.memref_slice %arg6[%dma_start3A_34] : memref<25600xi32, #tpu.memory_space<vmem>> -> memref<64xi32, #tpu.memory_space<vmem>>
    %dma_start3A_36 = arith.constant 0 : i32
    %dma_start3A_37 = arith.constant 0 : i32
    %dma_start3A_38 = tpu.memref_slice %arg5[%dma_start3A_36, %dma_start3A_37] : memref<136x128xf32, #tpu.memory_space<vmem_shared>> -> memref<136x128xf32, #tpu.memory_space<vmem_shared>>
    tpu.enqueue_indirect_dma source(%dma_start3A_38 : memref<136x128xf32, #tpu.memory_space<vmem_shared>>) target(%arg13 : memref<64x128xf32, #tpu.memory_space<vmem>>) offsets(%dma_start3A_35 : memref<64xi32, #tpu.memory_space<vmem>>) semaphore(%arg21 : memref<!tpu.dma_semaphore, #tpu.memory_space<semaphore_mem>>)
    %dma_start3A_39 = arith.constant 448 : i32
    %dma_start3A_40 = tpu.memref_slice %arg6[%dma_start3A_39] : memref<25600xi32, #tpu.memory_space<vmem>> -> memref<64xi32, #tpu.memory_space<vmem>>
    %dma_start3A_41 = arith.constant 0 : i32
    %dma_start3A_42 = arith.constant 0 : i32
    %dma_start3A_43 = tpu.memref_slice %arg5[%dma_start3A_41, %dma_start3A_42] : memref<136x128xf32, #tpu.memory_space<vmem_shared>> -> memref<136x128xf32, #tpu.memory_space<vmem_shared>>
    tpu.enqueue_indirect_dma source(%dma_start3A_43 : memref<136x128xf32, #tpu.memory_space<vmem_shared>>) target(%arg14 : memref<64x128xf32, #tpu.memory_space<vmem>>) offsets(%dma_start3A_40 : memref<64xi32, #tpu.memory_space<vmem>>) semaphore(%arg22 : memref<!tpu.dma_semaphore, #tpu.memory_space<semaphore_mem>>)
    %scan3A = arith.constant 0 : i32
    %scan3A_44 = arith.constant 0 : i32
    %scan3A_45 = arith.constant 50 : i32
    %scan3A_46 = arith.addi %scan3A_44, %scan3A_45 : i32
    %scan3A_47 = arith.constant 1 : i32
    scf.for %scan3A_96 = %scan3A_44 to %scan3A_46 step %scan3A_47  : i32 {
      %mul3A_97 = arith.constant 8 : i32
      %mul3A_98 = arith.muli %mul3A_97, %scan3A_96 : i32
      %add3A_99 = arith.constant 0 : i32
      %add3A_100 = arith.addi %mul3A_98, %add3A_99 : i32
      %dma_wait3A_101 = arith.constant 0 : i32
      %dma_wait3A_102 = tpu.memref_slice %arg6[%dma_wait3A_101] : memref<25600xi32, #tpu.memory_space<vmem>> -> memref<64xi32, #tpu.memory_space<vmem>>
      %dma_wait3A_103 = arith.constant 0 : i32
      %dma_wait3A_104 = arith.constant 0 : i32
      %dma_wait3A_105 = tpu.memref_slice %arg5[%dma_wait3A_103, %dma_wait3A_104] : memref<136x128xf32, #tpu.memory_space<vmem_shared>> -> memref<136x128xf32, #tpu.memory_space<vmem_shared>>
      tpu.wait_indirect_dma semaphore(%arg15 : memref<!tpu.dma_semaphore, #tpu.memory_space<semaphore_mem>>) src(%dma_wait3A_105 : memref<136x128xf32, #tpu.memory_space<vmem_shared>>) dst(%arg7 : memref<64x128xf32, #tpu.memory_space<vmem>>)
      %mul3A_106 = arith.constant 64 : i32
      %mul3A_107 = arith.muli %add3A_100, %mul3A_106 : i32
      %add3A_108 = arith.addi %mul3A_2, %mul3A_107 : i32
      %dma_start3A_109 = arith.constant 0 : i32
      %dma_start3A_110 = tpu.memref_slice %arg4[%add3A_108, %dma_start3A_109] : memref<819200x128xf32, #tpu.memory_space<hbm>> -> memref<64x128xf32, #tpu.memory_space<hbm>>
      %dma_start3A_111 = arith.constant 0 : i32
      %dma_start3A_112 = tpu.memref_slice %arg4[%add3A_108, %dma_start3A_111] : memref<819200x128xf32, #tpu.memory_space<hbm>> -> memref<64x128xf32, #tpu.memory_space<hbm>>
      tpu.enqueue_dma source(%arg7 : memref<64x128xf32, #tpu.memory_space<vmem>>) target(%dma_start3A_112 : memref<64x128xf32, #tpu.memory_space<hbm>>) target_semaphore(%arg23 : memref<!tpu.dma_semaphore, #tpu.memory_space<semaphore_mem>>)
      %add3A_113 = arith.constant 8 : i32
      %add3A_114 = arith.addi %add3A_100, %add3A_113 : i32
      %lt3A = arith.constant 400 : i32
      %lt3A_115 = arith.cmpi slt, %add3A_114, %lt3A : i32
      %convert_element_type3A_116 = arith.extui %lt3A_115 : i1 to i32
      %cond3A_117 = arith.constant 0 : i32
      %cond3A_118 = arith.cmpi ne, %convert_element_type3A_116, %cond3A_117 : i32
      scf.if %cond3A_118 {
        %dma_wait3A_280 = arith.constant 0 : i32
        %dma_wait3A_281 = arith.constant 0 : i32
        %dma_wait3A_282 = tpu.memref_slice %arg4[%dma_wait3A_280, %dma_wait3A_281] : memref<819200x128xf32, #tpu.memory_space<hbm>> -> memref<64x128xf32, #tpu.memory_space<hbm>>
        %dma_wait3A_283 = arith.constant 0 : i32
        %dma_wait3A_284 = arith.constant 0 : i32
        %dma_wait3A_285 = tpu.memref_slice %arg4[%dma_wait3A_283, %dma_wait3A_284] : memref<819200x128xf32, #tpu.memory_space<hbm>> -> memref<64x128xf32, #tpu.memory_space<hbm>>
        tpu.wait_dma2 semaphore(%arg23 : memref<!tpu.dma_semaphore, #tpu.memory_space<semaphore_mem>>) src(%arg7 : memref<64x128xf32, #tpu.memory_space<vmem>>) dst(%dma_wait3A_285 : memref<64x128xf32, #tpu.memory_space<hbm>>)
        %add3A_286 = arith.constant 8 : i32
        %add3A_287 = arith.addi %add3A_100, %add3A_286 : i32
        %mul3A_288 = arith.constant 64 : i32
        %mul3A_289 = arith.muli %add3A_287, %mul3A_288 : i32
        %dma_start3A_290 = tpu.memref_slice %arg6[%mul3A_289] : memref<25600xi32, #tpu.memory_space<vmem>> -> memref<64xi32, #tpu.memory_space<vmem>>
        %dma_start3A_291 = arith.constant 0 : i32
        %dma_start3A_292 = arith.constant 0 : i32
        %dma_start3A_293 = tpu.memref_slice %arg5[%dma_start3A_291, %dma_start3A_292] : memref<136x128xf32, #tpu.memory_space<vmem_shared>> -> memref<136x128xf32, #tpu.memory_space<vmem_shared>>
        tpu.enqueue_indirect_dma source(%dma_start3A_293 : memref<136x128xf32, #tpu.memory_space<vmem_shared>>) target(%arg7 : memref<64x128xf32, #tpu.memory_space<vmem>>) offsets(%dma_start3A_290 : memref<64xi32, #tpu.memory_space<vmem>>) semaphore(%arg15 : memref<!tpu.dma_semaphore, #tpu.memory_space<semaphore_mem>>)
      } else {
      }
      %mul3A_119 = arith.constant 8 : i32
      %mul3A_120 = arith.muli %mul3A_119, %scan3A_96 : i32
      %add3A_121 = arith.constant 1 : i32
      %add3A_122 = arith.addi %mul3A_120, %add3A_121 : i32
      %dma_wait3A_123 = arith.constant 0 : i32
      %dma_wait3A_124 = tpu.memref_slice %arg6[%dma_wait3A_123] : memref<25600xi32, #tpu.memory_space<vmem>> -> memref<64xi32, #tpu.memory_space<vmem>>
      %dma_wait3A_125 = arith.constant 0 : i32
      %dma_wait3A_126 = arith.constant 0 : i32
      %dma_wait3A_127 = tpu.memref_slice %arg5[%dma_wait3A_125, %dma_wait3A_126] : memref<136x128xf32, #tpu.memory_space<vmem_shared>> -> memref<136x128xf32, #tpu.memory_space<vmem_shared>>
      tpu.wait_indirect_dma semaphore(%arg16 : memref<!tpu.dma_semaphore, #tpu.memory_space<semaphore_mem>>) src(%dma_wait3A_127 : memref<136x128xf32, #tpu.memory_space<vmem_shared>>) dst(%arg8 : memref<64x128xf32, #tpu.memory_space<vmem>>)
      %mul3A_128 = arith.constant 64 : i32
      %mul3A_129 = arith.muli %add3A_122, %mul3A_128 : i32
      %add3A_130 = arith.addi %mul3A_2, %mul3A_129 : i32
      %dma_start3A_131 = arith.constant 0 : i32
      %dma_start3A_132 = tpu.memref_slice %arg4[%add3A_130, %dma_start3A_131] : memref<819200x128xf32, #tpu.memory_space<hbm>> -> memref<64x128xf32, #tpu.memory_space<hbm>>
      %dma_start3A_133 = arith.constant 0 : i32
      %dma_start3A_134 = tpu.memref_slice %arg4[%add3A_130, %dma_start3A_133] : memref<819200x128xf32, #tpu.memory_space<hbm>> -> memref<64x128xf32, #tpu.memory_space<hbm>>
      tpu.enqueue_dma source(%arg8 : memref<64x128xf32, #tpu.memory_space<vmem>>) target(%dma_start3A_134 : memref<64x128xf32, #tpu.memory_space<hbm>>) target_semaphore(%arg24 : memref<!tpu.dma_semaphore, #tpu.memory_space<semaphore_mem>>)
      %add3A_135 = arith.constant 8 : i32
      %add3A_136 = arith.addi %add3A_122, %add3A_135 : i32
      %lt3A_137 = arith.constant 400 : i32
      %lt3A_138 = arith.cmpi slt, %add3A_136, %lt3A_137 : i32
      %convert_element_type3A_139 = arith.extui %lt3A_138 : i1 to i32
      %cond3A_140 = arith.constant 0 : i32
      %cond3A_141 = arith.cmpi ne, %convert_element_type3A_139, %cond3A_140 : i32
      scf.if %cond3A_141 {
        %dma_wait3A_280 = arith.constant 0 : i32
        %dma_wait3A_281 = arith.constant 0 : i32
        %dma_wait3A_282 = tpu.memref_slice %arg4[%dma_wait3A_280, %dma_wait3A_281] : memref<819200x128xf32, #tpu.memory_space<hbm>> -> memref<64x128xf32, #tpu.memory_space<hbm>>
        %dma_wait3A_283 = arith.constant 0 : i32
        %dma_wait3A_284 = arith.constant 0 : i32
        %dma_wait3A_285 = tpu.memref_slice %arg4[%dma_wait3A_283, %dma_wait3A_284] : memref<819200x128xf32, #tpu.memory_space<hbm>> -> memref<64x128xf32, #tpu.memory_space<hbm>>
        tpu.wait_dma2 semaphore(%arg24 : memref<!tpu.dma_semaphore, #tpu.memory_space<semaphore_mem>>) src(%arg8 : memref<64x128xf32, #tpu.memory_space<vmem>>) dst(%dma_wait3A_285 : memref<64x128xf32, #tpu.memory_space<hbm>>)
        %add3A_286 = arith.constant 8 : i32
        %add3A_287 = arith.addi %add3A_122, %add3A_286 : i32
        %mul3A_288 = arith.constant 64 : i32
        %mul3A_289 = arith.muli %add3A_287, %mul3A_288 : i32
        %dma_start3A_290 = tpu.memref_slice %arg6[%mul3A_289] : memref<25600xi32, #tpu.memory_space<vmem>> -> memref<64xi32, #tpu.memory_space<vmem>>
        %dma_start3A_291 = arith.constant 0 : i32
        %dma_start3A_292 = arith.constant 0 : i32
        %dma_start3A_293 = tpu.memref_slice %arg5[%dma_start3A_291, %dma_start3A_292] : memref<136x128xf32, #tpu.memory_space<vmem_shared>> -> memref<136x128xf32, #tpu.memory_space<vmem_shared>>
        tpu.enqueue_indirect_dma source(%dma_start3A_293 : memref<136x128xf32, #tpu.memory_space<vmem_shared>>) target(%arg8 : memref<64x128xf32, #tpu.memory_space<vmem>>) offsets(%dma_start3A_290 : memref<64xi32, #tpu.memory_space<vmem>>) semaphore(%arg16 : memref<!tpu.dma_semaphore, #tpu.memory_space<semaphore_mem>>)
      } else {
      }
      %mul3A_142 = arith.constant 8 : i32
      %mul3A_143 = arith.muli %mul3A_142, %scan3A_96 : i32
      %add3A_144 = arith.constant 2 : i32
      %add3A_145 = arith.addi %mul3A_143, %add3A_144 : i32
      %dma_wait3A_146 = arith.constant 0 : i32
      %dma_wait3A_147 = tpu.memref_slice %arg6[%dma_wait3A_146] : memref<25600xi32, #tpu.memory_space<vmem>> -> memref<64xi32, #tpu.memory_space<vmem>>
      %dma_wait3A_148 = arith.constant 0 : i32
      %dma_wait3A_149 = arith.constant 0 : i32
      %dma_wait3A_150 = tpu.memref_slice %arg5[%dma_wait3A_148, %dma_wait3A_149] : memref<136x128xf32, #tpu.memory_space<vmem_shared>> -> memref<136x128xf32, #tpu.memory_space<vmem_shared>>
      tpu.wait_indirect_dma semaphore(%arg17 : memref<!tpu.dma_semaphore, #tpu.memory_space<semaphore_mem>>) src(%dma_wait3A_150 : memref<136x128xf32, #tpu.memory_space<vmem_shared>>) dst(%arg9 : memref<64x128xf32, #tpu.memory_space<vmem>>)
      %mul3A_151 = arith.constant 64 : i32
      %mul3A_152 = arith.muli %add3A_145, %mul3A_151 : i32
      %add3A_153 = arith.addi %mul3A_2, %mul3A_152 : i32
      %dma_start3A_154 = arith.constant 0 : i32
      %dma_start3A_155 = tpu.memref_slice %arg4[%add3A_153, %dma_start3A_154] : memref<819200x128xf32, #tpu.memory_space<hbm>> -> memref<64x128xf32, #tpu.memory_space<hbm>>
      %dma_start3A_156 = arith.constant 0 : i32
      %dma_start3A_157 = tpu.memref_slice %arg4[%add3A_153, %dma_start3A_156] : memref<819200x128xf32, #tpu.memory_space<hbm>> -> memref<64x128xf32, #tpu.memory_space<hbm>>
      tpu.enqueue_dma source(%arg9 : memref<64x128xf32, #tpu.memory_space<vmem>>) target(%dma_start3A_157 : memref<64x128xf32, #tpu.memory_space<hbm>>) target_semaphore(%arg25 : memref<!tpu.dma_semaphore, #tpu.memory_space<semaphore_mem>>)
      %add3A_158 = arith.constant 8 : i32
      %add3A_159 = arith.addi %add3A_145, %add3A_158 : i32
      %lt3A_160 = arith.constant 400 : i32
      %lt3A_161 = arith.cmpi slt, %add3A_159, %lt3A_160 : i32
      %convert_element_type3A_162 = arith.extui %lt3A_161 : i1 to i32
      %cond3A_163 = arith.constant 0 : i32
      %cond3A_164 = arith.cmpi ne, %convert_element_type3A_162, %cond3A_163 : i32
      scf.if %cond3A_164 {
        %dma_wait3A_280 = arith.constant 0 : i32
        %dma_wait3A_281 = arith.constant 0 : i32
        %dma_wait3A_282 = tpu.memref_slice %arg4[%dma_wait3A_280, %dma_wait3A_281] : memref<819200x128xf32, #tpu.memory_space<hbm>> -> memref<64x128xf32, #tpu.memory_space<hbm>>
        %dma_wait3A_283 = arith.constant 0 : i32
        %dma_wait3A_284 = arith.constant 0 : i32
        %dma_wait3A_285 = tpu.memref_slice %arg4[%dma_wait3A_283, %dma_wait3A_284] : memref<819200x128xf32, #tpu.memory_space<hbm>> -> memref<64x128xf32, #tpu.memory_space<hbm>>
        tpu.wait_dma2 semaphore(%arg25 : memref<!tpu.dma_semaphore, #tpu.memory_space<semaphore_mem>>) src(%arg9 : memref<64x128xf32, #tpu.memory_space<vmem>>) dst(%dma_wait3A_285 : memref<64x128xf32, #tpu.memory_space<hbm>>)
        %add3A_286 = arith.constant 8 : i32
        %add3A_287 = arith.addi %add3A_145, %add3A_286 : i32
        %mul3A_288 = arith.constant 64 : i32
        %mul3A_289 = arith.muli %add3A_287, %mul3A_288 : i32
        %dma_start3A_290 = tpu.memref_slice %arg6[%mul3A_289] : memref<25600xi32, #tpu.memory_space<vmem>> -> memref<64xi32, #tpu.memory_space<vmem>>
        %dma_start3A_291 = arith.constant 0 : i32
        %dma_start3A_292 = arith.constant 0 : i32
        %dma_start3A_293 = tpu.memref_slice %arg5[%dma_start3A_291, %dma_start3A_292] : memref<136x128xf32, #tpu.memory_space<vmem_shared>> -> memref<136x128xf32, #tpu.memory_space<vmem_shared>>
        tpu.enqueue_indirect_dma source(%dma_start3A_293 : memref<136x128xf32, #tpu.memory_space<vmem_shared>>) target(%arg9 : memref<64x128xf32, #tpu.memory_space<vmem>>) offsets(%dma_start3A_290 : memref<64xi32, #tpu.memory_space<vmem>>) semaphore(%arg17 : memref<!tpu.dma_semaphore, #tpu.memory_space<semaphore_mem>>)
      } else {
      }
      %mul3A_165 = arith.constant 8 : i32
      %mul3A_166 = arith.muli %mul3A_165, %scan3A_96 : i32
      %add3A_167 = arith.constant 3 : i32
      %add3A_168 = arith.addi %mul3A_166, %add3A_167 : i32
      %dma_wait3A_169 = arith.constant 0 : i32
      %dma_wait3A_170 = tpu.memref_slice %arg6[%dma_wait3A_169] : memref<25600xi32, #tpu.memory_space<vmem>> -> memref<64xi32, #tpu.memory_space<vmem>>
      %dma_wait3A_171 = arith.constant 0 : i32
      %dma_wait3A_172 = arith.constant 0 : i32
      %dma_wait3A_173 = tpu.memref_slice %arg5[%dma_wait3A_171, %dma_wait3A_172] : memref<136x128xf32, #tpu.memory_space<vmem_shared>> -> memref<136x128xf32, #tpu.memory_space<vmem_shared>>
      tpu.wait_indirect_dma semaphore(%arg18 : memref<!tpu.dma_semaphore, #tpu.memory_space<semaphore_mem>>) src(%dma_wait3A_173 : memref<136x128xf32, #tpu.memory_space<vmem_shared>>) dst(%arg10 : memref<64x128xf32, #tpu.memory_space<vmem>>)
      %mul3A_174 = arith.constant 64 : i32
      %mul3A_175 = arith.muli %add3A_168, %mul3A_174 : i32
      %add3A_176 = arith.addi %mul3A_2, %mul3A_175 : i32
      %dma_start3A_177 = arith.constant 0 : i32
      %dma_start3A_178 = tpu.memref_slice %arg4[%add3A_176, %dma_start3A_177] : memref<819200x128xf32, #tpu.memory_space<hbm>> -> memref<64x128xf32, #tpu.memory_space<hbm>>
      %dma_start3A_179 = arith.constant 0 : i32
      %dma_start3A_180 = tpu.memref_slice %arg4[%add3A_176, %dma_start3A_179] : memref<819200x128xf32, #tpu.memory_space<hbm>> -> memref<64x128xf32, #tpu.memory_space<hbm>>
      tpu.enqueue_dma source(%arg10 : memref<64x128xf32, #tpu.memory_space<vmem>>) target(%dma_start3A_180 : memref<64x128xf32, #tpu.memory_space<hbm>>) target_semaphore(%arg26 : memref<!tpu.dma_semaphore, #tpu.memory_space<semaphore_mem>>)
      %add3A_181 = arith.constant 8 : i32
      %add3A_182 = arith.addi %add3A_168, %add3A_181 : i32
      %lt3A_183 = arith.constant 400 : i32
      %lt3A_184 = arith.cmpi slt, %add3A_182, %lt3A_183 : i32
      %convert_element_type3A_185 = arith.extui %lt3A_184 : i1 to i32
      %cond3A_186 = arith.constant 0 : i32
      %cond3A_187 = arith.cmpi ne, %convert_element_type3A_185, %cond3A_186 : i32
      scf.if %cond3A_187 {
        %dma_wait3A_280 = arith.constant 0 : i32
        %dma_wait3A_281 = arith.constant 0 : i32
        %dma_wait3A_282 = tpu.memref_slice %arg4[%dma_wait3A_280, %dma_wait3A_281] : memref<819200x128xf32, #tpu.memory_space<hbm>> -> memref<64x128xf32, #tpu.memory_space<hbm>>
        %dma_wait3A_283 = arith.constant 0 : i32
        %dma_wait3A_284 = arith.constant 0 : i32
        %dma_wait3A_285 = tpu.memref_slice %arg4[%dma_wait3A_283, %dma_wait3A_284] : memref<819200x128xf32, #tpu.memory_space<hbm>> -> memref<64x128xf32, #tpu.memory_space<hbm>>
        tpu.wait_dma2 semaphore(%arg26 : memref<!tpu.dma_semaphore, #tpu.memory_space<semaphore_mem>>) src(%arg10 : memref<64x128xf32, #tpu.memory_space<vmem>>) dst(%dma_wait3A_285 : memref<64x128xf32, #tpu.memory_space<hbm>>)
        %add3A_286 = arith.constant 8 : i32
        %add3A_287 = arith.addi %add3A_168, %add3A_286 : i32
        %mul3A_288 = arith.constant 64 : i32
        %mul3A_289 = arith.muli %add3A_287, %mul3A_288 : i32
        %dma_start3A_290 = tpu.memref_slice %arg6[%mul3A_289] : memref<25600xi32, #tpu.memory_space<vmem>> -> memref<64xi32, #tpu.memory_space<vmem>>
        %dma_start3A_291 = arith.constant 0 : i32
        %dma_start3A_292 = arith.constant 0 : i32
        %dma_start3A_293 = tpu.memref_slice %arg5[%dma_start3A_291, %dma_start3A_292] : memref<136x128xf32, #tpu.memory_space<vmem_shared>> -> memref<136x128xf32, #tpu.memory_space<vmem_shared>>
        tpu.enqueue_indirect_dma source(%dma_start3A_293 : memref<136x128xf32, #tpu.memory_space<vmem_shared>>) target(%arg10 : memref<64x128xf32, #tpu.memory_space<vmem>>) offsets(%dma_start3A_290 : memref<64xi32, #tpu.memory_space<vmem>>) semaphore(%arg18 : memref<!tpu.dma_semaphore, #tpu.memory_space<semaphore_mem>>)
      } else {
      }
      %mul3A_188 = arith.constant 8 : i32
      %mul3A_189 = arith.muli %mul3A_188, %scan3A_96 : i32
      %add3A_190 = arith.constant 4 : i32
      %add3A_191 = arith.addi %mul3A_189, %add3A_190 : i32
      %dma_wait3A_192 = arith.constant 0 : i32
      %dma_wait3A_193 = tpu.memref_slice %arg6[%dma_wait3A_192] : memref<25600xi32, #tpu.memory_space<vmem>> -> memref<64xi32, #tpu.memory_space<vmem>>
      %dma_wait3A_194 = arith.constant 0 : i32
      %dma_wait3A_195 = arith.constant 0 : i32
      %dma_wait3A_196 = tpu.memref_slice %arg5[%dma_wait3A_194, %dma_wait3A_195] : memref<136x128xf32, #tpu.memory_space<vmem_shared>> -> memref<136x128xf32, #tpu.memory_space<vmem_shared>>
      tpu.wait_indirect_dma semaphore(%arg19 : memref<!tpu.dma_semaphore, #tpu.memory_space<semaphore_mem>>) src(%dma_wait3A_196 : memref<136x128xf32, #tpu.memory_space<vmem_shared>>) dst(%arg11 : memref<64x128xf32, #tpu.memory_space<vmem>>)
      %mul3A_197 = arith.constant 64 : i32
      %mul3A_198 = arith.muli %add3A_191, %mul3A_197 : i32
      %add3A_199 = arith.addi %mul3A_2, %mul3A_198 : i32
      %dma_start3A_200 = arith.constant 0 : i32
      %dma_start3A_201 = tpu.memref_slice %arg4[%add3A_199, %dma_start3A_200] : memref<819200x128xf32, #tpu.memory_space<hbm>> -> memref<64x128xf32, #tpu.memory_space<hbm>>
      %dma_start3A_202 = arith.constant 0 : i32
      %dma_start3A_203 = tpu.memref_slice %arg4[%add3A_199, %dma_start3A_202] : memref<819200x128xf32, #tpu.memory_space<hbm>> -> memref<64x128xf32, #tpu.memory_space<hbm>>
      tpu.enqueue_dma source(%arg11 : memref<64x128xf32, #tpu.memory_space<vmem>>) target(%dma_start3A_203 : memref<64x128xf32, #tpu.memory_space<hbm>>) target_semaphore(%arg27 : memref<!tpu.dma_semaphore, #tpu.memory_space<semaphore_mem>>)
      %add3A_204 = arith.constant 8 : i32
      %add3A_205 = arith.addi %add3A_191, %add3A_204 : i32
      %lt3A_206 = arith.constant 400 : i32
      %lt3A_207 = arith.cmpi slt, %add3A_205, %lt3A_206 : i32
      %convert_element_type3A_208 = arith.extui %lt3A_207 : i1 to i32
      %cond3A_209 = arith.constant 0 : i32
      %cond3A_210 = arith.cmpi ne, %convert_element_type3A_208, %cond3A_209 : i32
      scf.if %cond3A_210 {
        %dma_wait3A_280 = arith.constant 0 : i32
        %dma_wait3A_281 = arith.constant 0 : i32
        %dma_wait3A_282 = tpu.memref_slice %arg4[%dma_wait3A_280, %dma_wait3A_281] : memref<819200x128xf32, #tpu.memory_space<hbm>> -> memref<64x128xf32, #tpu.memory_space<hbm>>
        %dma_wait3A_283 = arith.constant 0 : i32
        %dma_wait3A_284 = arith.constant 0 : i32
        %dma_wait3A_285 = tpu.memref_slice %arg4[%dma_wait3A_283, %dma_wait3A_284] : memref<819200x128xf32, #tpu.memory_space<hbm>> -> memref<64x128xf32, #tpu.memory_space<hbm>>
        tpu.wait_dma2 semaphore(%arg27 : memref<!tpu.dma_semaphore, #tpu.memory_space<semaphore_mem>>) src(%arg11 : memref<64x128xf32, #tpu.memory_space<vmem>>) dst(%dma_wait3A_285 : memref<64x128xf32, #tpu.memory_space<hbm>>)
        %add3A_286 = arith.constant 8 : i32
        %add3A_287 = arith.addi %add3A_191, %add3A_286 : i32
        %mul3A_288 = arith.constant 64 : i32
        %mul3A_289 = arith.muli %add3A_287, %mul3A_288 : i32
        %dma_start3A_290 = tpu.memref_slice %arg6[%mul3A_289] : memref<25600xi32, #tpu.memory_space<vmem>> -> memref<64xi32, #tpu.memory_space<vmem>>
        %dma_start3A_291 = arith.constant 0 : i32
        %dma_start3A_292 = arith.constant 0 : i32
        %dma_start3A_293 = tpu.memref_slice %arg5[%dma_start3A_291, %dma_start3A_292] : memref<136x128xf32, #tpu.memory_space<vmem_shared>> -> memref<136x128xf32, #tpu.memory_space<vmem_shared>>
        tpu.enqueue_indirect_dma source(%dma_start3A_293 : memref<136x128xf32, #tpu.memory_space<vmem_shared>>) target(%arg11 : memref<64x128xf32, #tpu.memory_space<vmem>>) offsets(%dma_start3A_290 : memref<64xi32, #tpu.memory_space<vmem>>) semaphore(%arg19 : memref<!tpu.dma_semaphore, #tpu.memory_space<semaphore_mem>>)
      } else {
      }
      %mul3A_211 = arith.constant 8 : i32
      %mul3A_212 = arith.muli %mul3A_211, %scan3A_96 : i32
      %add3A_213 = arith.constant 5 : i32
      %add3A_214 = arith.addi %mul3A_212, %add3A_213 : i32
      %dma_wait3A_215 = arith.constant 0 : i32
      %dma_wait3A_216 = tpu.memref_slice %arg6[%dma_wait3A_215] : memref<25600xi32, #tpu.memory_space<vmem>> -> memref<64xi32, #tpu.memory_space<vmem>>
      %dma_wait3A_217 = arith.constant 0 : i32
      %dma_wait3A_218 = arith.constant 0 : i32
      %dma_wait3A_219 = tpu.memref_slice %arg5[%dma_wait3A_217, %dma_wait3A_218] : memref<136x128xf32, #tpu.memory_space<vmem_shared>> -> memref<136x128xf32, #tpu.memory_space<vmem_shared>>
      tpu.wait_indirect_dma semaphore(%arg20 : memref<!tpu.dma_semaphore, #tpu.memory_space<semaphore_mem>>) src(%dma_wait3A_219 : memref<136x128xf32, #tpu.memory_space<vmem_shared>>) dst(%arg12 : memref<64x128xf32, #tpu.memory_space<vmem>>)
      %mul3A_220 = arith.constant 64 : i32
      %mul3A_221 = arith.muli %add3A_214, %mul3A_220 : i32
      %add3A_222 = arith.addi %mul3A_2, %mul3A_221 : i32
      %dma_start3A_223 = arith.constant 0 : i32
      %dma_start3A_224 = tpu.memref_slice %arg4[%add3A_222, %dma_start3A_223] : memref<819200x128xf32, #tpu.memory_space<hbm>> -> memref<64x128xf32, #tpu.memory_space<hbm>>
      %dma_start3A_225 = arith.constant 0 : i32
      %dma_start3A_226 = tpu.memref_slice %arg4[%add3A_222, %dma_start3A_225] : memref<819200x128xf32, #tpu.memory_space<hbm>> -> memref<64x128xf32, #tpu.memory_space<hbm>>
      tpu.enqueue_dma source(%arg12 : memref<64x128xf32, #tpu.memory_space<vmem>>) target(%dma_start3A_226 : memref<64x128xf32, #tpu.memory_space<hbm>>) target_semaphore(%arg28 : memref<!tpu.dma_semaphore, #tpu.memory_space<semaphore_mem>>)
      %add3A_227 = arith.constant 8 : i32
      %add3A_228 = arith.addi %add3A_214, %add3A_227 : i32
      %lt3A_229 = arith.constant 400 : i32
      %lt3A_230 = arith.cmpi slt, %add3A_228, %lt3A_229 : i32
      %convert_element_type3A_231 = arith.extui %lt3A_230 : i1 to i32
      %cond3A_232 = arith.constant 0 : i32
      %cond3A_233 = arith.cmpi ne, %convert_element_type3A_231, %cond3A_232 : i32
      scf.if %cond3A_233 {
        %dma_wait3A_280 = arith.constant 0 : i32
        %dma_wait3A_281 = arith.constant 0 : i32
        %dma_wait3A_282 = tpu.memref_slice %arg4[%dma_wait3A_280, %dma_wait3A_281] : memref<819200x128xf32, #tpu.memory_space<hbm>> -> memref<64x128xf32, #tpu.memory_space<hbm>>
        %dma_wait3A_283 = arith.constant 0 : i32
        %dma_wait3A_284 = arith.constant 0 : i32
        %dma_wait3A_285 = tpu.memref_slice %arg4[%dma_wait3A_283, %dma_wait3A_284] : memref<819200x128xf32, #tpu.memory_space<hbm>> -> memref<64x128xf32, #tpu.memory_space<hbm>>
        tpu.wait_dma2 semaphore(%arg28 : memref<!tpu.dma_semaphore, #tpu.memory_space<semaphore_mem>>) src(%arg12 : memref<64x128xf32, #tpu.memory_space<vmem>>) dst(%dma_wait3A_285 : memref<64x128xf32, #tpu.memory_space<hbm>>)
        %add3A_286 = arith.constant 8 : i32
        %add3A_287 = arith.addi %add3A_214, %add3A_286 : i32
        %mul3A_288 = arith.constant 64 : i32
        %mul3A_289 = arith.muli %add3A_287, %mul3A_288 : i32
        %dma_start3A_290 = tpu.memref_slice %arg6[%mul3A_289] : memref<25600xi32, #tpu.memory_space<vmem>> -> memref<64xi32, #tpu.memory_space<vmem>>
        %dma_start3A_291 = arith.constant 0 : i32
        %dma_start3A_292 = arith.constant 0 : i32
        %dma_start3A_293 = tpu.memref_slice %arg5[%dma_start3A_291, %dma_start3A_292] : memref<136x128xf32, #tpu.memory_space<vmem_shared>> -> memref<136x128xf32, #tpu.memory_space<vmem_shared>>
        tpu.enqueue_indirect_dma source(%dma_start3A_293 : memref<136x128xf32, #tpu.memory_space<vmem_shared>>) target(%arg12 : memref<64x128xf32, #tpu.memory_space<vmem>>) offsets(%dma_start3A_290 : memref<64xi32, #tpu.memory_space<vmem>>) semaphore(%arg20 : memref<!tpu.dma_semaphore, #tpu.memory_space<semaphore_mem>>)
      } else {
      }
      %mul3A_234 = arith.constant 8 : i32
      %mul3A_235 = arith.muli %mul3A_234, %scan3A_96 : i32
      %add3A_236 = arith.constant 6 : i32
      %add3A_237 = arith.addi %mul3A_235, %add3A_236 : i32
      %dma_wait3A_238 = arith.constant 0 : i32
      %dma_wait3A_239 = tpu.memref_slice %arg6[%dma_wait3A_238] : memref<25600xi32, #tpu.memory_space<vmem>> -> memref<64xi32, #tpu.memory_space<vmem>>
      %dma_wait3A_240 = arith.constant 0 : i32
      %dma_wait3A_241 = arith.constant 0 : i32
      %dma_wait3A_242 = tpu.memref_slice %arg5[%dma_wait3A_240, %dma_wait3A_241] : memref<136x128xf32, #tpu.memory_space<vmem_shared>> -> memref<136x128xf32, #tpu.memory_space<vmem_shared>>
      tpu.wait_indirect_dma semaphore(%arg21 : memref<!tpu.dma_semaphore, #tpu.memory_space<semaphore_mem>>) src(%dma_wait3A_242 : memref<136x128xf32, #tpu.memory_space<vmem_shared>>) dst(%arg13 : memref<64x128xf32, #tpu.memory_space<vmem>>)
      %mul3A_243 = arith.constant 64 : i32
      %mul3A_244 = arith.muli %add3A_237, %mul3A_243 : i32
      %add3A_245 = arith.addi %mul3A_2, %mul3A_244 : i32
      %dma_start3A_246 = arith.constant 0 : i32
      %dma_start3A_247 = tpu.memref_slice %arg4[%add3A_245, %dma_start3A_246] : memref<819200x128xf32, #tpu.memory_space<hbm>> -> memref<64x128xf32, #tpu.memory_space<hbm>>
      %dma_start3A_248 = arith.constant 0 : i32
      %dma_start3A_249 = tpu.memref_slice %arg4[%add3A_245, %dma_start3A_248] : memref<819200x128xf32, #tpu.memory_space<hbm>> -> memref<64x128xf32, #tpu.memory_space<hbm>>
      tpu.enqueue_dma source(%arg13 : memref<64x128xf32, #tpu.memory_space<vmem>>) target(%dma_start3A_249 : memref<64x128xf32, #tpu.memory_space<hbm>>) target_semaphore(%arg29 : memref<!tpu.dma_semaphore, #tpu.memory_space<semaphore_mem>>)
      %add3A_250 = arith.constant 8 : i32
      %add3A_251 = arith.addi %add3A_237, %add3A_250 : i32
      %lt3A_252 = arith.constant 400 : i32
      %lt3A_253 = arith.cmpi slt, %add3A_251, %lt3A_252 : i32
      %convert_element_type3A_254 = arith.extui %lt3A_253 : i1 to i32
      %cond3A_255 = arith.constant 0 : i32
      %cond3A_256 = arith.cmpi ne, %convert_element_type3A_254, %cond3A_255 : i32
      scf.if %cond3A_256 {
        %dma_wait3A_280 = arith.constant 0 : i32
        %dma_wait3A_281 = arith.constant 0 : i32
        %dma_wait3A_282 = tpu.memref_slice %arg4[%dma_wait3A_280, %dma_wait3A_281] : memref<819200x128xf32, #tpu.memory_space<hbm>> -> memref<64x128xf32, #tpu.memory_space<hbm>>
        %dma_wait3A_283 = arith.constant 0 : i32
        %dma_wait3A_284 = arith.constant 0 : i32
        %dma_wait3A_285 = tpu.memref_slice %arg4[%dma_wait3A_283, %dma_wait3A_284] : memref<819200x128xf32, #tpu.memory_space<hbm>> -> memref<64x128xf32, #tpu.memory_space<hbm>>
        tpu.wait_dma2 semaphore(%arg29 : memref<!tpu.dma_semaphore, #tpu.memory_space<semaphore_mem>>) src(%arg13 : memref<64x128xf32, #tpu.memory_space<vmem>>) dst(%dma_wait3A_285 : memref<64x128xf32, #tpu.memory_space<hbm>>)
        %add3A_286 = arith.constant 8 : i32
        %add3A_287 = arith.addi %add3A_237, %add3A_286 : i32
        %mul3A_288 = arith.constant 64 : i32
        %mul3A_289 = arith.muli %add3A_287, %mul3A_288 : i32
        %dma_start3A_290 = tpu.memref_slice %arg6[%mul3A_289] : memref<25600xi32, #tpu.memory_space<vmem>> -> memref<64xi32, #tpu.memory_space<vmem>>
        %dma_start3A_291 = arith.constant 0 : i32
        %dma_start3A_292 = arith.constant 0 : i32
        %dma_start3A_293 = tpu.memref_slice %arg5[%dma_start3A_291, %dma_start3A_292] : memref<136x128xf32, #tpu.memory_space<vmem_shared>> -> memref<136x128xf32, #tpu.memory_space<vmem_shared>>
        tpu.enqueue_indirect_dma source(%dma_start3A_293 : memref<136x128xf32, #tpu.memory_space<vmem_shared>>) target(%arg13 : memref<64x128xf32, #tpu.memory_space<vmem>>) offsets(%dma_start3A_290 : memref<64xi32, #tpu.memory_space<vmem>>) semaphore(%arg21 : memref<!tpu.dma_semaphore, #tpu.memory_space<semaphore_mem>>)
      } else {
      }
      %mul3A_257 = arith.constant 8 : i32
      %mul3A_258 = arith.muli %mul3A_257, %scan3A_96 : i32
      %add3A_259 = arith.constant 7 : i32
      %add3A_260 = arith.addi %mul3A_258, %add3A_259 : i32
      %dma_wait3A_261 = arith.constant 0 : i32
      %dma_wait3A_262 = tpu.memref_slice %arg6[%dma_wait3A_261] : memref<25600xi32, #tpu.memory_space<vmem>> -> memref<64xi32, #tpu.memory_space<vmem>>
      %dma_wait3A_263 = arith.constant 0 : i32
      %dma_wait3A_264 = arith.constant 0 : i32
      %dma_wait3A_265 = tpu.memref_slice %arg5[%dma_wait3A_263, %dma_wait3A_264] : memref<136x128xf32, #tpu.memory_space<vmem_shared>> -> memref<136x128xf32, #tpu.memory_space<vmem_shared>>
      tpu.wait_indirect_dma semaphore(%arg22 : memref<!tpu.dma_semaphore, #tpu.memory_space<semaphore_mem>>) src(%dma_wait3A_265 : memref<136x128xf32, #tpu.memory_space<vmem_shared>>) dst(%arg14 : memref<64x128xf32, #tpu.memory_space<vmem>>)
      %mul3A_266 = arith.constant 64 : i32
      %mul3A_267 = arith.muli %add3A_260, %mul3A_266 : i32
      %add3A_268 = arith.addi %mul3A_2, %mul3A_267 : i32
      %dma_start3A_269 = arith.constant 0 : i32
      %dma_start3A_270 = tpu.memref_slice %arg4[%add3A_268, %dma_start3A_269] : memref<819200x128xf32, #tpu.memory_space<hbm>> -> memref<64x128xf32, #tpu.memory_space<hbm>>
      %dma_start3A_271 = arith.constant 0 : i32
      %dma_start3A_272 = tpu.memref_slice %arg4[%add3A_268, %dma_start3A_271] : memref<819200x128xf32, #tpu.memory_space<hbm>> -> memref<64x128xf32, #tpu.memory_space<hbm>>
      tpu.enqueue_dma source(%arg14 : memref<64x128xf32, #tpu.memory_space<vmem>>) target(%dma_start3A_272 : memref<64x128xf32, #tpu.memory_space<hbm>>) target_semaphore(%arg30 : memref<!tpu.dma_semaphore, #tpu.memory_space<semaphore_mem>>)
      %add3A_273 = arith.constant 8 : i32
      %add3A_274 = arith.addi %add3A_260, %add3A_273 : i32
      %lt3A_275 = arith.constant 400 : i32
      %lt3A_276 = arith.cmpi slt, %add3A_274, %lt3A_275 : i32
      %convert_element_type3A_277 = arith.extui %lt3A_276 : i1 to i32
      %cond3A_278 = arith.constant 0 : i32
      %cond3A_279 = arith.cmpi ne, %convert_element_type3A_277, %cond3A_278 : i32
      scf.if %cond3A_279 {
        %dma_wait3A_280 = arith.constant 0 : i32
        %dma_wait3A_281 = arith.constant 0 : i32
        %dma_wait3A_282 = tpu.memref_slice %arg4[%dma_wait3A_280, %dma_wait3A_281] : memref<819200x128xf32, #tpu.memory_space<hbm>> -> memref<64x128xf32, #tpu.memory_space<hbm>>
        %dma_wait3A_283 = arith.constant 0 : i32
        %dma_wait3A_284 = arith.constant 0 : i32
        %dma_wait3A_285 = tpu.memref_slice %arg4[%dma_wait3A_283, %dma_wait3A_284] : memref<819200x128xf32, #tpu.memory_space<hbm>> -> memref<64x128xf32, #tpu.memory_space<hbm>>
        tpu.wait_dma2 semaphore(%arg30 : memref<!tpu.dma_semaphore, #tpu.memory_space<semaphore_mem>>) src(%arg14 : memref<64x128xf32, #tpu.memory_space<vmem>>) dst(%dma_wait3A_285 : memref<64x128xf32, #tpu.memory_space<hbm>>)
        %add3A_286 = arith.constant 8 : i32
        %add3A_287 = arith.addi %add3A_260, %add3A_286 : i32
        %mul3A_288 = arith.constant 64 : i32
        %mul3A_289 = arith.muli %add3A_287, %mul3A_288 : i32
        %dma_start3A_290 = tpu.memref_slice %arg6[%mul3A_289] : memref<25600xi32, #tpu.memory_space<vmem>> -> memref<64xi32, #tpu.memory_space<vmem>>
        %dma_start3A_291 = arith.constant 0 : i32
        %dma_start3A_292 = arith.constant 0 : i32
        %dma_start3A_293 = tpu.memref_slice %arg5[%dma_start3A_291, %dma_start3A_292] : memref<136x128xf32, #tpu.memory_space<vmem_shared>> -> memref<136x128xf32, #tpu.memory_space<vmem_shared>>
        tpu.enqueue_indirect_dma source(%dma_start3A_293 : memref<136x128xf32, #tpu.memory_space<vmem_shared>>) target(%arg14 : memref<64x128xf32, #tpu.memory_space<vmem>>) offsets(%dma_start3A_290 : memref<64xi32, #tpu.memory_space<vmem>>) semaphore(%arg22 : memref<!tpu.dma_semaphore, #tpu.memory_space<semaphore_mem>>)
      } else {
      }
    }
    %scan3A_48 = arith.constant 50 : i32
    %dma_wait3A = arith.constant 0 : i32
    %dma_wait3A_49 = arith.constant 0 : i32
    %dma_wait3A_50 = tpu.memref_slice %arg4[%dma_wait3A, %dma_wait3A_49] : memref<819200x128xf32, #tpu.memory_space<hbm>> -> memref<64x128xf32, #tpu.memory_space<hbm>>
    %dma_wait3A_51 = arith.constant 0 : i32
    %dma_wait3A_52 = arith.constant 0 : i32
    %dma_wait3A_53 = tpu.memref_slice %arg4[%dma_wait3A_51, %dma_wait3A_52] : memref<819200x128xf32, #tpu.memory_space<hbm>> -> memref<64x128xf32, #tpu.memory_space<hbm>>
    tpu.wait_dma2 semaphore(%arg23 : memref<!tpu.dma_semaphore, #tpu.memory_space<semaphore_mem>>) src(%arg7 : memref<64x128xf32, #tpu.memory_space<vmem>>) dst(%dma_wait3A_53 : memref<64x128xf32, #tpu.memory_space<hbm>>)
    %dma_wait3A_54 = arith.constant 0 : i32
    %dma_wait3A_55 = arith.constant 0 : i32
    %dma_wait3A_56 = tpu.memref_slice %arg4[%dma_wait3A_54, %dma_wait3A_55] : memref<819200x128xf32, #tpu.memory_space<hbm>> -> memref<64x128xf32, #tpu.memory_space<hbm>>
    %dma_wait3A_57 = arith.constant 0 : i32
    %dma_wait3A_58 = arith.constant 0 : i32
    %dma_wait3A_59 = tpu.memref_slice %arg4[%dma_wait3A_57, %dma_wait3A_58] : memref<819200x128xf32, #tpu.memory_space<hbm>> -> memref<64x128xf32, #tpu.memory_space<hbm>>
    tpu.wait_dma2 semaphore(%arg24 : memref<!tpu.dma_semaphore, #tpu.memory_space<semaphore_mem>>) src(%arg8 : memref<64x128xf32, #tpu.memory_space<vmem>>) dst(%dma_wait3A_59 : memref<64x128xf32, #tpu.memory_space<hbm>>)
    %dma_wait3A_60 = arith.constant 0 : i32
    %dma_wait3A_61 = arith.constant 0 : i32
    %dma_wait3A_62 = tpu.memref_slice %arg4[%dma_wait3A_60, %dma_wait3A_61] : memref<819200x128xf32, #tpu.memory_space<hbm>> -> memref<64x128xf32, #tpu.memory_space<hbm>>
    %dma_wait3A_63 = arith.constant 0 : i32
    %dma_wait3A_64 = arith.constant 0 : i32
    %dma_wait3A_65 = tpu.memref_slice %arg4[%dma_wait3A_63, %dma_wait3A_64] : memref<819200x128xf32, #tpu.memory_space<hbm>> -> memref<64x128xf32, #tpu.memory_space<hbm>>
    tpu.wait_dma2 semaphore(%arg25 : memref<!tpu.dma_semaphore, #tpu.memory_space<semaphore_mem>>) src(%arg9 : memref<64x128xf32, #tpu.memory_space<vmem>>) dst(%dma_wait3A_65 : memref<64x128xf32, #tpu.memory_space<hbm>>)
    %dma_wait3A_66 = arith.constant 0 : i32
    %dma_wait3A_67 = arith.constant 0 : i32
    %dma_wait3A_68 = tpu.memref_slice %arg4[%dma_wait3A_66, %dma_wait3A_67] : memref<819200x128xf32, #tpu.memory_space<hbm>> -> memref<64x128xf32, #tpu.memory_space<hbm>>
    %dma_wait3A_69 = arith.constant 0 : i32
    %dma_wait3A_70 = arith.constant 0 : i32
    %dma_wait3A_71 = tpu.memref_slice %arg4[%dma_wait3A_69, %dma_wait3A_70] : memref<819200x128xf32, #tpu.memory_space<hbm>> -> memref<64x128xf32, #tpu.memory_space<hbm>>
    tpu.wait_dma2 semaphore(%arg26 : memref<!tpu.dma_semaphore, #tpu.memory_space<semaphore_mem>>) src(%arg10 : memref<64x128xf32, #tpu.memory_space<vmem>>) dst(%dma_wait3A_71 : memref<64x128xf32, #tpu.memory_space<hbm>>)
    %dma_wait3A_72 = arith.constant 0 : i32
    %dma_wait3A_73 = arith.constant 0 : i32
    %dma_wait3A_74 = tpu.memref_slice %arg4[%dma_wait3A_72, %dma_wait3A_73] : memref<819200x128xf32, #tpu.memory_space<hbm>> -> memref<64x128xf32, #tpu.memory_space<hbm>>
    %dma_wait3A_75 = arith.constant 0 : i32
    %dma_wait3A_76 = arith.constant 0 : i32
    %dma_wait3A_77 = tpu.memref_slice %arg4[%dma_wait3A_75, %dma_wait3A_76] : memref<819200x128xf32, #tpu.memory_space<hbm>> -> memref<64x128xf32, #tpu.memory_space<hbm>>
    tpu.wait_dma2 semaphore(%arg27 : memref<!tpu.dma_semaphore, #tpu.memory_space<semaphore_mem>>) src(%arg11 : memref<64x128xf32, #tpu.memory_space<vmem>>) dst(%dma_wait3A_77 : memref<64x128xf32, #tpu.memory_space<hbm>>)
    %dma_wait3A_78 = arith.constant 0 : i32
    %dma_wait3A_79 = arith.constant 0 : i32
    %dma_wait3A_80 = tpu.memref_slice %arg4[%dma_wait3A_78, %dma_wait3A_79] : memref<819200x128xf32, #tpu.memory_space<hbm>> -> memref<64x128xf32, #tpu.memory_space<hbm>>
    %dma_wait3A_81 = arith.constant 0 : i32
    %dma_wait3A_82 = arith.constant 0 : i32
    %dma_wait3A_83 = tpu.memref_slice %arg4[%dma_wait3A_81, %dma_wait3A_82] : memref<819200x128xf32, #tpu.memory_space<hbm>> -> memref<64x128xf32, #tpu.memory_space<hbm>>
    tpu.wait_dma2 semaphore(%arg28 : memref<!tpu.dma_semaphore, #tpu.memory_space<semaphore_mem>>) src(%arg12 : memref<64x128xf32, #tpu.memory_space<vmem>>) dst(%dma_wait3A_83 : memref<64x128xf32, #tpu.memory_space<hbm>>)
    %dma_wait3A_84 = arith.constant 0 : i32
    %dma_wait3A_85 = arith.constant 0 : i32
    %dma_wait3A_86 = tpu.memref_slice %arg4[%dma_wait3A_84, %dma_wait3A_85] : memref<819200x128xf32, #tpu.memory_space<hbm>> -> memref<64x128xf32, #tpu.memory_space<hbm>>
    %dma_wait3A_87 = arith.constant 0 : i32
    %dma_wait3A_88 = arith.constant 0 : i32
    %dma_wait3A_89 = tpu.memref_slice %arg4[%dma_wait3A_87, %dma_wait3A_88] : memref<819200x128xf32, #tpu.memory_space<hbm>> -> memref<64x128xf32, #tpu.memory_space<hbm>>
    tpu.wait_dma2 semaphore(%arg29 : memref<!tpu.dma_semaphore, #tpu.memory_space<semaphore_mem>>) src(%arg13 : memref<64x128xf32, #tpu.memory_space<vmem>>) dst(%dma_wait3A_89 : memref<64x128xf32, #tpu.memory_space<hbm>>)
    %dma_wait3A_90 = arith.constant 0 : i32
    %dma_wait3A_91 = arith.constant 0 : i32
    %dma_wait3A_92 = tpu.memref_slice %arg4[%dma_wait3A_90, %dma_wait3A_91] : memref<819200x128xf32, #tpu.memory_space<hbm>> -> memref<64x128xf32, #tpu.memory_space<hbm>>
    %dma_wait3A_93 = arith.constant 0 : i32
    %dma_wait3A_94 = arith.constant 0 : i32
    %dma_wait3A_95 = tpu.memref_slice %arg4[%dma_wait3A_93, %dma_wait3A_94] : memref<819200x128xf32, #tpu.memory_space<hbm>> -> memref<64x128xf32, #tpu.memory_space<hbm>>
    tpu.wait_dma2 semaphore(%arg30 : memref<!tpu.dma_semaphore, #tpu.memory_space<semaphore_mem>>) src(%arg14 : memref<64x128xf32, #tpu.memory_space<vmem>>) dst(%dma_wait3A_95 : memref<64x128xf32, #tpu.memory_space<hbm>>)
    return
  }
}

module attributes {stable_mosaic.version = 14 : i64} {
  func.func @_prep_body(%arg0: i32, %arg1: memref<1024x200xi32, #tpu.memory_space<vmem>>, %arg2: memref<1024x200xi32, #tpu.memory_space<vmem>>, %arg3: memref<1024x200xi32, #tpu.memory_space<vmem>>, %arg4: memref<1024x200xi32, #tpu.memory_space<vmem>>, %arg5: memref<128x128xf32, #tpu.memory_space<vmem>>, %arg6: memref<1024x200xi32, #tpu.memory_space<vmem>>, %arg7: memref<136x128xf32, #tpu.memory_space<vmem>>) attributes {dimension_semantics = [#tpu.dimension_semantics<arbitrary>], iteration_bounds = array<i64: 4>, scalar_prefetch = 0 : i64, scratch_operands = 0 : i64, tpu.core_type = #tpu.core_type<tc>, window_params = [{transform_indices = @transform_0, window_bounds = array<i64: 1024, 200>}, {transform_indices = @transform_1, window_bounds = array<i64: 1024, 200>}, {transform_indices = @transform_2, window_bounds = array<i64: 1024, 200>}, {transform_indices = @transform_3, window_bounds = array<i64: 1024, 200>}, {pipeline_mode = #tpu.pipeline_mode<synchronous>, transform_indices = @transform_4, window_bounds = array<i64: 128, 128>}, {transform_indices = @transform_5, window_bounds = array<i64: 1024, 200>}, {pipeline_mode = #tpu.pipeline_mode<synchronous>, transform_indices = @transform_6, window_bounds = array<i64: 136, 128>}]} {
    %iota3A = tpu.iota {dimensions = array<i32: 0>} : vector<136x128xi32>
    %iota3A_0 = tpu.iota {dimensions = array<i32: 1>} : vector<136x128xi32>
    %jit3A = arith.constant 27 : i32
    %div3A = vector.broadcast %jit3A : i32 to vector<136x128xi32>
    %div3A_1 = arith.divsi %iota3A, %div3A : vector<136x128xi32>
    %sign3A = arith.constant 0 : i32
    %sign3A_2 = vector.broadcast %sign3A : i32 to vector<136x128xi32>
    %sign3A_3 = arith.cmpi sgt, %iota3A, %sign3A_2 : vector<136x128xi32>
    %sign3A_4 = arith.extui %sign3A_3 : vector<136x128xi1> to vector<136x128xi32>
    %sign3A_5 = arith.constant 0 : i32
    %sign3A_6 = vector.broadcast %sign3A_5 : i32 to vector<136x128xi32>
    %sign3A_7 = arith.cmpi slt, %iota3A, %sign3A_6 : vector<136x128xi32>
    %sign3A_8 = arith.extui %sign3A_7 : vector<136x128xi1> to vector<136x128xi32>
    %sign3A_9 = arith.subi %sign3A_4, %sign3A_8 : vector<136x128xi32>
    %sign3A_10 = arith.constant 0 : i32
    %sign3A_11 = arith.cmpi sgt, %jit3A, %sign3A_10 : i32
    %sign3A_12 = arith.extui %sign3A_11 : i1 to i32
    %sign3A_13 = arith.constant 0 : i32
    %sign3A_14 = arith.cmpi slt, %jit3A, %sign3A_13 : i32
    %sign3A_15 = arith.extui %sign3A_14 : i1 to i32
    %sign3A_16 = arith.subi %sign3A_12, %sign3A_15 : i32
    %ne3A = vector.broadcast %sign3A_16 : i32 to vector<136x128xi32>
    %ne3A_17 = arith.cmpi ne, %sign3A_9, %ne3A : vector<136x128xi32>
    %rem3A = vector.broadcast %jit3A : i32 to vector<136x128xi32>
    %rem3A_18 = arith.remsi %iota3A, %rem3A : vector<136x128xi32>
    %ne3A_19 = arith.constant 0 : i32
    %ne3A_20 = vector.broadcast %ne3A_19 : i32 to vector<136x128xi32>
    %ne3A_21 = arith.cmpi ne, %rem3A_18, %ne3A_20 : vector<136x128xi32>
    %and3A = arith.andi %ne3A_17, %ne3A_21 : vector<136x128xi1>
    %sub3A = arith.constant 1 : i32
    %sub3A_22 = vector.broadcast %sub3A : i32 to vector<136x128xi32>
    %sub3A_23 = arith.subi %div3A_1, %sub3A_22 : vector<136x128xi32>
    %select_n3A = arith.select %and3A, %sub3A_23, %div3A_1 : vector<136x128xi1>, vector<136x128xi32>
    %eq3A = arith.cmpi eq, %iota3A_0, %select_n3A : vector<136x128xi32>
    %convert_element_type3A = arith.extui %eq3A : vector<136x128xi1> to vector<136x128xi32>
    %convert_element_type3A_24 = arith.sitofp %convert_element_type3A : vector<136x128xi32> to vector<136x128xf32>
    %jit3A_25 = arith.constant 9 : i32
    %div3A_26 = vector.broadcast %jit3A_25 : i32 to vector<136x128xi32>
    %div3A_27 = arith.divsi %iota3A, %div3A_26 : vector<136x128xi32>
    %sign3A_28 = arith.constant 0 : i32
    %sign3A_29 = vector.broadcast %sign3A_28 : i32 to vector<136x128xi32>
    %sign3A_30 = arith.cmpi sgt, %iota3A, %sign3A_29 : vector<136x128xi32>
    %sign3A_31 = arith.extui %sign3A_30 : vector<136x128xi1> to vector<136x128xi32>
    %sign3A_32 = arith.constant 0 : i32
    %sign3A_33 = vector.broadcast %sign3A_32 : i32 to vector<136x128xi32>
    %sign3A_34 = arith.cmpi slt, %iota3A, %sign3A_33 : vector<136x128xi32>
    %sign3A_35 = arith.extui %sign3A_34 : vector<136x128xi1> to vector<136x128xi32>
    %sign3A_36 = arith.subi %sign3A_31, %sign3A_35 : vector<136x128xi32>
    %sign3A_37 = arith.constant 0 : i32
    %sign3A_38 = arith.cmpi sgt, %jit3A_25, %sign3A_37 : i32
    %sign3A_39 = arith.extui %sign3A_38 : i1 to i32
    %sign3A_40 = arith.constant 0 : i32
    %sign3A_41 = arith.cmpi slt, %jit3A_25, %sign3A_40 : i32
    %sign3A_42 = arith.extui %sign3A_41 : i1 to i32
    %sign3A_43 = arith.subi %sign3A_39, %sign3A_42 : i32
    %ne3A_44 = vector.broadcast %sign3A_43 : i32 to vector<136x128xi32>
    %ne3A_45 = arith.cmpi ne, %sign3A_36, %ne3A_44 : vector<136x128xi32>
    %rem3A_46 = vector.broadcast %jit3A_25 : i32 to vector<136x128xi32>
    %rem3A_47 = arith.remsi %iota3A, %rem3A_46 : vector<136x128xi32>
    %ne3A_48 = arith.constant 0 : i32
    %ne3A_49 = vector.broadcast %ne3A_48 : i32 to vector<136x128xi32>
    %ne3A_50 = arith.cmpi ne, %rem3A_47, %ne3A_49 : vector<136x128xi32>
    %and3A_51 = arith.andi %ne3A_45, %ne3A_50 : vector<136x128xi1>
    %sub3A_52 = arith.constant 1 : i32
    %sub3A_53 = vector.broadcast %sub3A_52 : i32 to vector<136x128xi32>
    %sub3A_54 = arith.subi %div3A_27, %sub3A_53 : vector<136x128xi32>
    %select_n3A_55 = arith.select %and3A_51, %sub3A_54, %div3A_27 : vector<136x128xi1>, vector<136x128xi32>
    %jit3A_56 = arith.constant 3 : i32
    %eq3A_57 = arith.constant 0 : i32
    %eq3A_58 = arith.cmpi eq, %jit3A_56, %eq3A_57 : i32
    %jit3A_59 = arith.constant 1 : i32
    %select_n3A_60 = arith.select %eq3A_58, %jit3A_59, %jit3A_56 : i32
    %rem3A_61 = vector.broadcast %select_n3A_60 : i32 to vector<136x128xi32>
    %rem3A_62 = arith.remsi %select_n3A_55, %rem3A_61 : vector<136x128xi32>
    %ne3A_63 = arith.constant 0 : i32
    %ne3A_64 = vector.broadcast %ne3A_63 : i32 to vector<136x128xi32>
    %ne3A_65 = arith.cmpi ne, %rem3A_62, %ne3A_64 : vector<136x128xi32>
    %lt3A = arith.constant 0 : i32
    %lt3A_66 = vector.broadcast %lt3A : i32 to vector<136x128xi32>
    %lt3A_67 = arith.cmpi slt, %rem3A_62, %lt3A_66 : vector<136x128xi32>
    %lt3A_68 = arith.constant 0 : i32
    %lt3A_69 = arith.cmpi slt, %select_n3A_60, %lt3A_68 : i32
    %ne3A_70 = vector.broadcast %lt3A_69 : i1 to vector<136x128xi1>
    %ne3A_71 = vector.broadcast %ne3A_70 : vector<136x128xi1> to vector<136x128xi1>
    %ne3A_72 = arith.xori %lt3A_67, %ne3A_71 : vector<136x128xi1>
    %and3A_73 = arith.andi %ne3A_72, %ne3A_65 : vector<136x128xi1>
    %add3A = vector.broadcast %select_n3A_60 : i32 to vector<136x128xi32>
    %add3A_74 = arith.addi %rem3A_62, %add3A : vector<136x128xi32>
    %select_n3A_75 = arith.select %and3A_73, %add3A_74, %rem3A_62 : vector<136x128xi1>, vector<136x128xi32>
    %add3A_76 = arith.constant 5 : i32
    %add3A_77 = vector.broadcast %add3A_76 : i32 to vector<136x128xi32>
    %add3A_78 = arith.addi %add3A_77, %select_n3A_75 : vector<136x128xi32>
    %eq3A_79 = arith.cmpi eq, %iota3A_0, %add3A_78 : vector<136x128xi32>
    %convert_element_type3A_80 = arith.extui %eq3A_79 : vector<136x128xi1> to vector<136x128xi32>
    %convert_element_type3A_81 = arith.sitofp %convert_element_type3A_80 : vector<136x128xi32> to vector<136x128xf32>
    %add3A_82 = arith.addf %convert_element_type3A_24, %convert_element_type3A_81 : vector<136x128xf32>
    %jit3A_83 = arith.constant 3 : i32
    %div3A_84 = vector.broadcast %jit3A_83 : i32 to vector<136x128xi32>
    %div3A_85 = arith.divsi %iota3A, %div3A_84 : vector<136x128xi32>
    %sign3A_86 = arith.constant 0 : i32
    %sign3A_87 = vector.broadcast %sign3A_86 : i32 to vector<136x128xi32>
    %sign3A_88 = arith.cmpi sgt, %iota3A, %sign3A_87 : vector<136x128xi32>
    %sign3A_89 = arith.extui %sign3A_88 : vector<136x128xi1> to vector<136x128xi32>
    %sign3A_90 = arith.constant 0 : i32
    %sign3A_91 = vector.broadcast %sign3A_90 : i32 to vector<136x128xi32>
    %sign3A_92 = arith.cmpi slt, %iota3A, %sign3A_91 : vector<136x128xi32>
    %sign3A_93 = arith.extui %sign3A_92 : vector<136x128xi1> to vector<136x128xi32>
    %sign3A_94 = arith.subi %sign3A_89, %sign3A_93 : vector<136x128xi32>
    %sign3A_95 = arith.constant 0 : i32
    %sign3A_96 = arith.cmpi sgt, %jit3A_83, %sign3A_95 : i32
    %sign3A_97 = arith.extui %sign3A_96 : i1 to i32
    %sign3A_98 = arith.constant 0 : i32
    %sign3A_99 = arith.cmpi slt, %jit3A_83, %sign3A_98 : i32
    %sign3A_100 = arith.extui %sign3A_99 : i1 to i32
    %sign3A_101 = arith.subi %sign3A_97, %sign3A_100 : i32
    %ne3A_102 = vector.broadcast %sign3A_101 : i32 to vector<136x128xi32>
    %ne3A_103 = arith.cmpi ne, %sign3A_94, %ne3A_102 : vector<136x128xi32>
    %rem3A_104 = vector.broadcast %jit3A_83 : i32 to vector<136x128xi32>
    %rem3A_105 = arith.remsi %iota3A, %rem3A_104 : vector<136x128xi32>
    %ne3A_106 = arith.constant 0 : i32
    %ne3A_107 = vector.broadcast %ne3A_106 : i32 to vector<136x128xi32>
    %ne3A_108 = arith.cmpi ne, %rem3A_105, %ne3A_107 : vector<136x128xi32>
    %and3A_109 = arith.andi %ne3A_103, %ne3A_108 : vector<136x128xi1>
    %sub3A_110 = arith.constant 1 : i32
    %sub3A_111 = vector.broadcast %sub3A_110 : i32 to vector<136x128xi32>
    %sub3A_112 = arith.subi %div3A_85, %sub3A_111 : vector<136x128xi32>
    %select_n3A_113 = arith.select %and3A_109, %sub3A_112, %div3A_85 : vector<136x128xi1>, vector<136x128xi32>
    %jit3A_114 = arith.constant 3 : i32
    %eq3A_115 = arith.constant 0 : i32
    %eq3A_116 = arith.cmpi eq, %jit3A_114, %eq3A_115 : i32
    %jit3A_117 = arith.constant 1 : i32
    %select_n3A_118 = arith.select %eq3A_116, %jit3A_117, %jit3A_114 : i32
    %rem3A_119 = vector.broadcast %select_n3A_118 : i32 to vector<136x128xi32>
    %rem3A_120 = arith.remsi %select_n3A_113, %rem3A_119 : vector<136x128xi32>
    %ne3A_121 = arith.constant 0 : i32
    %ne3A_122 = vector.broadcast %ne3A_121 : i32 to vector<136x128xi32>
    %ne3A_123 = arith.cmpi ne, %rem3A_120, %ne3A_122 : vector<136x128xi32>
    %lt3A_124 = arith.constant 0 : i32
    %lt3A_125 = vector.broadcast %lt3A_124 : i32 to vector<136x128xi32>
    %lt3A_126 = arith.cmpi slt, %rem3A_120, %lt3A_125 : vector<136x128xi32>
    %lt3A_127 = arith.constant 0 : i32
    %lt3A_128 = arith.cmpi slt, %select_n3A_118, %lt3A_127 : i32
    %ne3A_129 = vector.broadcast %lt3A_128 : i1 to vector<136x128xi1>
    %ne3A_130 = vector.broadcast %ne3A_129 : vector<136x128xi1> to vector<136x128xi1>
    %ne3A_131 = arith.xori %lt3A_126, %ne3A_130 : vector<136x128xi1>
    %and3A_132 = arith.andi %ne3A_131, %ne3A_123 : vector<136x128xi1>
    %add3A_133 = vector.broadcast %select_n3A_118 : i32 to vector<136x128xi32>
    %add3A_134 = arith.addi %rem3A_120, %add3A_133 : vector<136x128xi32>
    %select_n3A_135 = arith.select %and3A_132, %add3A_134, %rem3A_120 : vector<136x128xi1>, vector<136x128xi32>
    %add3A_136 = arith.constant 8 : i32
    %add3A_137 = vector.broadcast %add3A_136 : i32 to vector<136x128xi32>
    %add3A_138 = arith.addi %add3A_137, %select_n3A_135 : vector<136x128xi32>
    %eq3A_139 = arith.cmpi eq, %iota3A_0, %add3A_138 : vector<136x128xi32>
    %convert_element_type3A_140 = arith.extui %eq3A_139 : vector<136x128xi1> to vector<136x128xi32>
    %convert_element_type3A_141 = arith.sitofp %convert_element_type3A_140 : vector<136x128xi32> to vector<136x128xf32>
    %add3A_142 = arith.addf %add3A_82, %convert_element_type3A_141 : vector<136x128xf32>
    %jit3A_143 = arith.constant 3 : i32
    %eq3A_144 = arith.constant 0 : i32
    %eq3A_145 = arith.cmpi eq, %jit3A_143, %eq3A_144 : i32
    %jit3A_146 = arith.constant 1 : i32
    %select_n3A_147 = arith.select %eq3A_145, %jit3A_146, %jit3A_143 : i32
    %rem3A_148 = vector.broadcast %select_n3A_147 : i32 to vector<136x128xi32>
    %rem3A_149 = arith.remsi %iota3A, %rem3A_148 : vector<136x128xi32>
    %ne3A_150 = arith.constant 0 : i32
    %ne3A_151 = vector.broadcast %ne3A_150 : i32 to vector<136x128xi32>
    %ne3A_152 = arith.cmpi ne, %rem3A_149, %ne3A_151 : vector<136x128xi32>
    %lt3A_153 = arith.constant 0 : i32
    %lt3A_154 = vector.broadcast %lt3A_153 : i32 to vector<136x128xi32>
    %lt3A_155 = arith.cmpi slt, %rem3A_149, %lt3A_154 : vector<136x128xi32>
    %lt3A_156 = arith.constant 0 : i32
    %lt3A_157 = arith.cmpi slt, %select_n3A_147, %lt3A_156 : i32
    %ne3A_158 = vector.broadcast %lt3A_157 : i1 to vector<136x128xi1>
    %ne3A_159 = vector.broadcast %ne3A_158 : vector<136x128xi1> to vector<136x128xi1>
    %ne3A_160 = arith.xori %lt3A_155, %ne3A_159 : vector<136x128xi1>
    %and3A_161 = arith.andi %ne3A_160, %ne3A_152 : vector<136x128xi1>
    %add3A_162 = vector.broadcast %select_n3A_147 : i32 to vector<136x128xi32>
    %add3A_163 = arith.addi %rem3A_149, %add3A_162 : vector<136x128xi32>
    %select_n3A_164 = arith.select %and3A_161, %add3A_163, %rem3A_149 : vector<136x128xi1>, vector<136x128xi32>
    %add3A_165 = arith.constant 11 : i32
    %add3A_166 = vector.broadcast %add3A_165 : i32 to vector<136x128xi32>
    %add3A_167 = arith.addi %add3A_166, %select_n3A_164 : vector<136x128xi32>
    %eq3A_168 = arith.cmpi eq, %iota3A_0, %add3A_167 : vector<136x128xi32>
    %convert_element_type3A_169 = arith.extui %eq3A_168 : vector<136x128xi1> to vector<136x128xi32>
    %convert_element_type3A_170 = arith.sitofp %convert_element_type3A_169 : vector<136x128xi32> to vector<136x128xf32>
    %add3A_171 = arith.addf %add3A_142, %convert_element_type3A_170 : vector<136x128xf32>
    %lt3A_172 = arith.constant 135 : i32
    %lt3A_173 = vector.broadcast %lt3A_172 : i32 to vector<136x128xi32>
    %lt3A_174 = arith.cmpi slt, %iota3A, %lt3A_173 : vector<136x128xi32>
    %jit3A_175 = arith.constant 0.000000e+00 : f32
    %broadcast_in_dim3A = vector.broadcast %jit3A_175 : f32 to vector<136x128xf32>
    %select_n3A_176 = arith.select %lt3A_174, %add3A_171, %broadcast_in_dim3A : vector<136x128xi1>, vector<136x128xf32>
    %get3A = arith.constant 0 : index
    %get3A_177 = arith.constant 0 : index
    %get3A_178 = vector.load %arg5[%get3A, %get3A_177] : memref<128x128xf32, #tpu.memory_space<vmem>>, vector<128x128xf32>
    %dot_general3A = arith.constant dense<0.000000e+00> : vector<136x128xf32>
    %dot_general3A_179 = tpu.matmul %select_n3A_176, %get3A_178, %dot_general3A {dimension_numbers = #tpu.dot_dimension_numbers<[1], [0], [0], [1], [0, 0, 1, 1], [], []>, transpose_lhs_hint = false} : vector<136x128xf32>, vector<128x128xf32>, vector<136x128xf32> -> vector<136x128xf32>
    %swap3A = arith.constant 0 : index
    %swap3A_180 = arith.constant 0 : index
    %swap3A_181 = vector.load %arg7[%swap3A, %swap3A_180] : memref<136x128xf32, #tpu.memory_space<vmem>>, vector<136x128xf32>
    tpu.vector_store %arg7[%swap3A, %swap3A_180], %dot_general3A_179 {strides = array<i32>} : memref<136x128xf32, #tpu.memory_space<vmem>>, vector<136x128xf32>,
    %get3A_182 = arith.constant 0 : index
    %get3A_183 = arith.constant 0 : index
    %get3A_184 = vector.load %arg1[%get3A_182, %get3A_183] : memref<1024x200xi32, #tpu.memory_space<vmem>>, vector<1024x200xi32>
    %mul3A = arith.constant 3 : i32
    %mul3A_185 = vector.broadcast %mul3A : i32 to vector<1024x200xi32>
    %mul3A_186 = arith.muli %get3A_184, %mul3A_185 : vector<1024x200xi32>
    %get3A_187 = arith.constant 0 : index
    %get3A_188 = arith.constant 0 : index
    %get3A_189 = vector.load %arg2[%get3A_187, %get3A_188] : memref<1024x200xi32, #tpu.memory_space<vmem>>, vector<1024x200xi32>
    %add3A_190 = arith.addi %mul3A_186, %get3A_189 : vector<1024x200xi32>
    %mul3A_191 = arith.constant 3 : i32
    %mul3A_192 = vector.broadcast %mul3A_191 : i32 to vector<1024x200xi32>
    %mul3A_193 = arith.muli %add3A_190, %mul3A_192 : vector<1024x200xi32>
    %get3A_194 = arith.constant 0 : index
    %get3A_195 = arith.constant 0 : index
    %get3A_196 = vector.load %arg3[%get3A_194, %get3A_195] : memref<1024x200xi32, #tpu.memory_space<vmem>>, vector<1024x200xi32>
    %add3A_197 = arith.addi %mul3A_193, %get3A_196 : vector<1024x200xi32>
    %mul3A_198 = arith.constant 3 : i32
    %mul3A_199 = vector.broadcast %mul3A_198 : i32 to vector<1024x200xi32>
    %mul3A_200 = arith.muli %add3A_197, %mul3A_199 : vector<1024x200xi32>
    %get3A_201 = arith.constant 0 : index
    %get3A_202 = arith.constant 0 : index
    %get3A_203 = vector.load %arg4[%get3A_201, %get3A_202] : memref<1024x200xi32, #tpu.memory_space<vmem>>, vector<1024x200xi32>
    %add3A_204 = arith.addi %mul3A_200, %get3A_203 : vector<1024x200xi32>
    %swap3A_205 = arith.constant 0 : index
    %swap3A_206 = arith.constant 0 : index
    %swap3A_207 = vector.load %arg6[%swap3A_205, %swap3A_206] : memref<1024x200xi32, #tpu.memory_space<vmem>>, vector<1024x200xi32>
    tpu.vector_store %arg6[%swap3A_205, %swap3A_206], %add3A_204 {strides = array<i32>} : memref<1024x200xi32, #tpu.memory_space<vmem>>, vector<1024x200xi32>,
    return
  }
  func.func @transform_0(%arg0: i32) -> (i32, i32) {
    %c0_i32 = arith.constant 0 : i32
    %c0_i32_0 = arith.constant 0 : i32
    return %arg0, %c0_i32 : i32, i32
  }
  func.func @transform_1(%arg0: i32) -> (i32, i32) {
    %c0_i32 = arith.constant 0 : i32
    %c0_i32_0 = arith.constant 0 : i32
    return %arg0, %c0_i32 : i32, i32
  }
  func.func @transform_2(%arg0: i32) -> (i32, i32) {
    %c0_i32 = arith.constant 0 : i32
    %c0_i32_0 = arith.constant 0 : i32
    return %arg0, %c0_i32 : i32, i32
  }
  func.func @transform_3(%arg0: i32) -> (i32, i32) {
    %c0_i32 = arith.constant 0 : i32
    %c0_i32_0 = arith.constant 0 : i32
    return %arg0, %c0_i32 : i32, i32
  }
  func.func @transform_4(%arg0: i32) -> (i32, i32) {
    %c0_i32 = arith.constant 0 : i32
    %c0_i32_0 = arith.constant 0 : i32
    %c0_i32_1 = arith.constant 0 : i32
    return %c0_i32, %c0_i32_0 : i32, i32
  }
  func.func @transform_5(%arg0: i32) -> (i32, i32) {
    %c0_i32 = arith.constant 0 : i32
    %c0_i32_0 = arith.constant 0 : i32
    return %arg0, %c0_i32 : i32, i32
  }
  func.func @transform_6(%arg0: i32) -> (i32, i32) {
    %c0_i32 = arith.constant 0 : i32
    %c0_i32_0 = arith.constant 0 : i32
    %c0_i32_1 = arith.constant 0 : i32
    return %c0_i32, %c0_i32_0 : i32, i32
  }
}

</mosaic_0001>

<sc_bundles>
// kernel: kernel.4.cloned.1.call-start
scs
__scs_entry_jumppad:
0x0: {  	(pc) =	sbr.rel $0x88, $3  }
0x1: {  	(tag) =	ssettag $0x0;
	lr =	simm.s32 $0x1  }
0x2: {  	[smem:$0x3F99] =	sst lr;
	_ =	strace $0xD0000000  }
0x3: {  	_ = 	snop  }
0x4: {  	_ = 	snop  }
0x5: {  	_ = 	snop  }
0x6: {  	_ = 	snop  }
0x7: {  	_ = 	snop  }
__scs_overlays_trampoline_lowered:
0x8: {  	[smem:$0x3FA8] =	sst s0  }
0x9: {  	[smem:$0x3FA9] =	sst s1  }
0xa: {  	[smem:$0x3FAA] =	sst s2  }
0xb: {  	[smem:$0x3FAB] =	sst s3  }
0xc: {  	[smem:$0x3FAC] =	sst s4  }
0xd: {  	[smem:$0x3FAD] =	sst s5  }
0xe: {  	[smem:$0x3FAE] =	sst s6  }
0xf: {  	[smem:$0x3FAF] =	sst s7  }
0x10: {  	[smem:$0x3FB0] =	sst s8  }
0x11: {  	[smem:$0x3FB1] =	sst s9;
	s0 =	simm.s32 @!p0 $0x0  }
0x12: {  	s1 =	sld [smem:$0x3F97];
	s0 =	simm.s32 @p0 $0x1  }
0x13: {  	[smem:$0x3FB2] =	sst s0;
	s0 =	simm.s32 @!p1 $0x0  }
0x14: {  	s2 =	sld [smem:$0x3F96];
	s0 =	simm.s32 @p1 $0x1  }
0x15: {  	[smem:$0x3FB3] =	sst s0;
	s0 =	simm.s32 @!p2 $0x0  }
0x16: {  	s3 =	sld [smem:$0x3FDB];
	s0 =	simm.s32 @p2 $0x1  }
0x17: {  	s4 =	simm.s32 $0x1BF5;
	[smem:$0x3FB5] =	sst s0  }
0x18: {  	s0 =	sld [smem:$0x3F98];
	_ =	swait.ge [sflag:s4], $0x0  }
0x19: {  	s7 =	sld [smem:$0x3F99]  }
0x1a: {  	s8 =	sadd.s32 $0xFFFFE003, lr  }
0x1b: {  	s9 =	sadd.s32 $0xFFFFFEF7, lr;
	s5 =	simm.s32 $0xFFFFFFFF;
	p2 =	slt.u32 s8, $0xFFFFF086  }
0x1c: {  	p1 =	slt.u32 s9, $0xF7A;
	s5 =	simm.s32 @!p2 $0x0  }
0x1d: {  	s5 =	simm.s32 @p1 $0x1;
	p0 =	seq.s32 s7, s2  }
0x1e: {  	s7 =	smul.u32 @!p0 $0xF7A, s2;
	p2 =	seq.s32 @!p0 s5, $0x0  }
0x1f: {  	s9 =	smul.u32 $0xF7A, s1;
	s8 =	simm.s32 @!p0 $0x1BF5;
	p2 =	por !p2, p0  }
0x20: {  	[sflag:s8] =	ssyncset.s32 @!p0 $0xFFFFF086;
	s6 =	sadd.s32 @!p0 s3, s7;
	s7 =	simm.s32 @!p0 $0x108  }
0x21: {  	s3 =	sadd.s32 s3, s9;
	s6 =	sadd.s32 @!p0 $0x88, s6;
	s7 =	simm.s32 @p2 $0x1082  }
0x22: {  	[simem:s7], [sflag:s8] =	dma.local @!p0 [hbm:s6], $0xF7A  }
0x23: {  	s9 =	sor.u32 $0xD0000000, s2;
	s6 =	simm.s32 $0x108;
	_ =	swait.ge @!p0 [sflag:s8], $0x0  }
0x24: {  	s3 =	sadd.s32 $0x88, s3;
	s6 =	simm.s32 @!p1 $0x1082;
	[sflag:s4] =	ssyncset.s32 $0xFFFFF086  }
0x25: {  	[simem:s6], [sflag:s4] =	dma.local [hbm:s3], $0xF7A  }
0x26: {  	[smem:$0x3F99] =	sst s1;
	(tag) =	ssettag s2;
	_ =	strace s9  }
0x27: {  	s1 =	sld [smem:$0x3FA9]  }
0x28: {  	s2 =	sld [smem:$0x3FAA]  }
0x29: {  	s4 =	sld [smem:$0x3FAC]  }
0x2a: {  	p0 =	seq.s32 s5, $0x0;
	s5 =	sld [smem:$0x3FAD]  }
0x2b: {  	s6 =	sld [smem:$0x3FAE]  }
0x2c: {  	s7 =	sld [smem:$0x3FAF]  }
0x2d: {  	s3 =	simm.s32 $0x108;
	s8 =	sld [smem:$0x3FB0]  }
0x2e: {  	s3 =	simm.s32 @!p0 $0x1082;
	s9 =	sld [smem:$0x3FB1]  }
0x2f: {  	lr =	sadd.s32 s0, s3;
	s0 =	sld [smem:$0x3FA8]  }
0x30: {  	s3 =	sld [smem:$0x3FAB]  }
0x31: {  	[smem:$0x3FB4] =	sst s10  }
0x32: {  	s10 =	sld [smem:$0x3FB2];
	_ =	sdelay $0x3  }
0x33: {  	p0 =	seq.s32 s10, $0x1;
	s10 =	sld [smem:$0x3FB4];
	_ =	sdelay $0x3  }
0x34: {  	[smem:$0x3FB4] =	sst s10  }
0x35: {  	s10 =	sld [smem:$0x3FB3];
	_ =	sdelay $0x3  }
0x36: {  	p1 =	seq.s32 s10, $0x1;
	s10 =	sld [smem:$0x3FB4];
	_ =	sdelay $0x3  }
0x37: {  	[smem:$0x3FB4] =	sst s10  }
0x38: {  	s10 =	sld [smem:$0x3FB5]  }
0x39: {  	_ = 	snop;
	(pc) =	sbr.ind lr, $3  }
0x3a: {  	_ = 	snop  }
0x3b: {  	_ = 	snop  }
0x3c: {  	p2 =	seq.s32 s10, $0x1;
	s10 =	sld [smem:$0x3FB4]  }
0x3d: {  	_ =	shalt  }
0x3e: {  	_ =	shalt  }
0x3f: {  	_ =	shalt  }
0x40: {  	_ =	shalt  }
0x41: {  	_ =	shalt  }
0x42: {  	_ =	shalt  }
0x43: {  	_ =	shalt  }
0x44: {  	_ =	shalt  }
0x45: {  	_ =	shalt  }
0x46: {  	_ =	shalt  }
0x47: {  	_ =	shalt  }
0x48: {  	_ =	shalt  }
0x49: {  	_ =	shalt  }
0x4a: {  	_ =	shalt  }
0x4b: {  	_ =	shalt  }
0x4c: {  	_ =	shalt  }
0x4d: {  	_ =	shalt  }
0x4e: {  	_ =	shalt  }
0x4f: {  	_ =	shalt  }
0x50: {  	_ =	shalt  }
0x51: {  	_ =	shalt  }
0x52: {  	_ =	shalt  }
0x53: {  	_ =	shalt  }
0x54: {  	_ =	shalt  }
0x55: {  	_ =	shalt  }
0x56: {  	_ =	shalt  }
0x57: {  	_ =	shalt  }
0x58: {  	_ =	shalt  }
0x59: {  	_ =	shalt  }
0x5a: {  	_ =	shalt  }
0x5b: {  	_ =	shalt  }
0x5c: {  	_ =	shalt  }
0x5d: {  	_ =	shalt  }
0x5e: {  	_ =	shalt  }
0x5f: {  	_ =	shalt  }
0x60: {  	_ =	shalt  }
0x61: {  	_ =	shalt  }
0x62: {  	_ =	shalt  }
0x63: {  	_ =	shalt  }
0x64: {  	_ =	shalt  }
0x65: {  	_ =	shalt  }
0x66: {  	_ =	shalt  }
0x67: {  	_ =	shalt  }
0x68: {  	_ =	shalt  }
0x69: {  	_ =	shalt  }
0x6a: {  	_ =	shalt  }
0x6b: {  	_ =	shalt  }
0x6c: {  	_ =	shalt  }
0x6d: {  	_ =	shalt  }
0x6e: {  	_ =	shalt  }
0x6f: {  	_ =	shalt  }
0x70: {  	_ =	shalt  }
0x71: {  	_ =	shalt  }
0x72: {  	_ =	shalt  }
0x73: {  	_ =	shalt  }
0x74: {  	_ =	shalt  }
0x75: {  	_ =	shalt  }
0x76: {  	_ =	shalt  }
0x77: {  	_ =	shalt  }
0x78: {  	_ =	shalt  }
0x79: {  	_ =	shalt  }
0x7a: {  	_ =	shalt  }
0x7b: {  	_ =	shalt  }
0x7c: {  	_ =	shalt  }
0x7d: {  	_ =	shalt  }
0x7e: {  	_ =	shalt  }
0x7f: {  	_ =	shalt  }
0x80: {  	_ =	shalt  }
0x81: {  	_ =	shalt  }
0x82: {  	_ =	shalt  }
0x83: {  	_ =	shalt  }
0x84: {  	_ =	shalt  }
0x85: {  	_ =	shalt  }
0x86: {  	_ =	shalt  }
0x87: {  	_ =	shalt  }
.Lfunc_end0:
.L_simem_size_0:
called_computation_lowered:
.L_overlay_start_0:
0x88: {  	s2 =	sld [smem:$0x3FD9]  }
0x89: {  	s3 =	sld [smem:$0x3FFE];
	_ =	sdelay $0x1  }
0x8a: {  	s1 =	srdreg.scid  }
0x8b: {  	s0 =	sand.u32 $0x1, s1  }
0x8c: {  	s17 =	sshll.u32 s0, $0xA;
	s2 =	sadd.s32 s3, s2  }
0x8d: {  	s2 =	sadd.s32 s2, s17  }
0x8e: {  	[smem:$0x3FC0] =	sst s2  }
0x8f: {  	_ = 	snop  }
0x90: {  	s2 =	sld [smem:$0x3FD0];
	(tm) =	ssettm $0x1  }
0x91: {  	s18 =	sld [smem:$0x3FFB];
	_ =	sdelay $0x3  }
0x92: {  	_ =	strace s18  }
0x93: {  	s3 =	sld [smem:$0x3FFC];
	_ =	sdelay $0x3  }
0x94: {  	_ =	strace s3  }
0x95: {  	s3 =	sld [smem:$0x3FFD];
	_ =	sdelay $0x3  }
0x96: {  	_ =	strace s3  }
0x97: {  	_ =	strace $0x8FFFFFFF  }
0x98: {  	s19 =	sld [smem:$0x3FDB];
	_ =	sdelay $0x1  }
0x99: {  	s4 =	simm.s32 $_scs_section_size  }
0x9a: {  	s5 =	simm.s32 $_size__tile_overlayer_lowered;
	s6 =	simm.s32 $_tile_overlayer_lowered  }
0x9b: {  	s22 =	simm.s32 $0x1BFF;
	s21 =	sshll.u32 s6, $0x1;
	s3 =	sadd.s32 s4, s19  }
0x9c: {  	s7 =	simm.s32 $0x0;
	s20 =	sshll.u32 s5, $0x1;
	s5 =	sadd.s32 s21, s3  }
0x9d: {  	[timem:s7], [sflag:s22] =	dma.local [hbm:s5], s20  }
0x9e: {  	_ =	swait.ge [sflag:s22], s20  }
0x9f: {  	s4 =	ssub.s32 $0x0, s20;
	[sflag:s22] =	ssyncset.done $0x0  }
0xa0: {  	[sflag:s22] =	ssyncadd.s32 s4;
	_ =	sdelay $0x1  }
0xa1: {  	s23 =	simm.s32 $0x1B8B  }
0xa2: {  	_ =	swait.ge [sflag:s23], $0x1  }
0xa3: {  	[sflag:s23] =	ssyncset.done $0x0  }
0xa4: {  	s25 =	simm.s32 $0x1B8E;
	s24 =	sld [smem:$0x3FFE];
	[sflag:s23] =	ssyncadd.s32 $0xFFFFFFFF  }
0xa5: {  	s26 =	simm.s32 $execute0_lowered;
	[smem:$0x3FD2] =	sst s25  }
0xa6: {  	s5 =	sshll.u32 s26, $0x1;
	_ =	strace $0x80000046;
	[dreg:$0x1] =	wrdreg $0xFFFFFFFF  }
0xa7: {  	s28 =	simm.s32 $_size_execute0_lowered;
	s3 =	sadd.s32 s3, s5;
	[dreg:$0x0] =	wrdreg $0x0  }
0xa8: {  	s5 =	sshll.u32 s28, $0x1;
	[dreg:$0x2] =	wrdreg s3  }
0xa9: {  	[dreg:$0x3] =	wrdreg s5  }
0xaa: {  	[dreg:$0x4] =	wrdreg $0xC0  }
0xab: {  	_ =	task [dreg:s7], $0x5FFFF  }
0xac: {  	[dreg:$0x1] =	wrdreg $0xFFFFFFFF  }
0xad: {  	[dreg:$0x0] =	wrdreg $0x60  }
0xae: {  	[dreg:$0x2] =	wrdreg s24  }
0xaf: {  	[dreg:$0x3] =	wrdreg s2  }
0xb0: {  	[dreg:$0x4] =	wrdreg $0x0  }
0xb1: {  	[dreg:$0x5] =	wrdreg $0x9  }
0xb2: {  	_ =	task.clear_ibuf [dreg:s7], $0x6FFFF;
	_ =	strace $0x90000046  }
0xb3: {  	s29 =	simm.s32 $0x9;
	_ =	strace $0x80000048  }
0xb4: {  	_ =	swait.ge [sflag:s29], $0x1  }
0xb5: {  	[sflag:s29] =	ssyncadd.s32 $0xFFFFFFFF  }
0xb6: {  	_ =	strace $0x90000048  }
0xb7: {  	_ =	sfence  }
0xb8: {  	s30 =	sld [smem:$0x0];
	_ =	sdelay $0x2  }
0xb9: {  	s31 =	sshll.u32 s1, $0xD;
	s1 =	sshrl.u32 s1, $0x2  }
0xba: {  	s3 =	sand.u32 $0x4000, s31;
	s1 =	sadd.s32 s1, s30  }
0xbb: {  	s0 =	sor.u32 s3, s0;
	s1 =	sshll.u32 s1, $0x11  }
0xbc: {  	s0 =	sor.u32 s1, s0  }
0xbd: {  	s0 =	sadd.s32 $0x8F2B, s0  }
0xbe: {  	[sflag:s0] =	ssyncadd.remote.s32 $0x1  }
0xbf: {  	_ =	sfence.sel $0xFFFF  }
0xc0: {  	[dreg:$0x0] =	wrdreg $0xFFFFFFFF;
	(pc) =	sbr.abs _section_cstart, $3  }
0xc1: {  	[dreg:$0x1] =	wrdreg $0xFFFFFFFF  }
0xc2: {  	_ =	task.clear_ibuf [dreg:s7], $0x2FFFF;
	_ =	strace $0x9FFFFFFF  }
0xc3: {  	(tm) =	ssettm $0x7FFFFFFF  }
tec
execute0_lowered:
.L_overlay_start_1:
0x0: {  	(tag) =	ssettag $0x1  }
0x1: {  	s0 =	rddreg [dreg:$0x0]  }
0x2: {  	s3 =	rddreg [dreg:$0x1];
	s2 =	srdreg.scid  }
0x3: {  	s4 =	stileid.u32;
	s1 =	rddreg [dreg:$0x2]  }
0x4: {  	s14 =	simm.s32 $0x40;
	s15 =	simm.s32 $0x6840;
	s17 =	simm.s32 $0x8840  }
0x5: {  	s30 =	simm.s32 $0x14840;
	s31 =	simm.s32 $0x1;
	s16 =	simm.s32 $0x4  }
0x6: {  	s18 =	simm.s32 $0x6;
	s19 =	simm.s32 $0x8;
	s28 =	simm.s32 $0xE  }
0x7: {  	s29 =	simm.s32 $0xF;
	s5 =	sand.u32 $0x1, s2;
	s22 =	smul.u32 $0x640000, s4  }
0x8: {  	s6 =	sshll.u32 s4, $0x1;
	s2 =	simm.s32 $0x0;
	s10 =	smul.u32 $0xC8000, s4  }
0x9: {  	s8 =	sadd.s32 $0x1600, s0;
	p0 =	sne.s32 s4, $0x0;
	s24 =	smul.u32 $0x320000, s5  }
0xa: {  	s6 =	sor.u32 s5, s6;
	s20 =	ssub.s32 $0x2, s5;
	s5 =	smul.u32 $0x64000, s5  }
0xb: {  	s4 =	simm.s32 $0x0;
	[smem:$0x7FF] =	sst s2;
	s7 =	smul.u32 $0x6400, s6  }
0xc: {  	_ =	strace $0x80000047;
	[dreg:$0x4] =	wrdreg s8;
	s9 =	sshrl.u32 s20, $0x1  }
0xd: {  	s6 =	smul.u32 $0x64000, s6;
	s10 =	sadd.s32 s10, s3;
	s21 =	ssub.s32 s20, s9  }
0xe: {  	s9 =	sadd.s32 s24, s22;
	s10 =	sadd.s32 s5, s10;
	s7 =	sshrl.u32 s7, $0x3  }
0xf: {  	s23 =	sadd.s32 s3, s6;
	s25 =	smax.u32 s21, $0x1;
	s26 =	sshrl.u32 s9, $0x3  }
.Ltmp0:
0x10: {  	s21 =	simm.s32 $0xC840;
	s0 =	sadd.s32 s7, s0;
	(pc) =	sbr.rel .LBB2_1-.Ltmp0, $4  }
0x11: {  	[dreg:$0x6] =	wrdreg s25;
	s6 =	sadd.s32 $0x62800, s23;
	s7 =	sadd.s32 $0x63000, s23  }
0x12: {  	s8 =	sadd.s32 $0x63800, s23;
	s9 =	sadd.s32 s26, s3;
	s0 =	sadd.s32 $0x2000, s0  }
0x13: {  	s25 =	simm.s32 $0x10840;
	[dreg:$0x5] =	wrdreg s0;
	s0 =	sshrl.u32 @!p0 s1, $0x3  }
0x14: {  	s3 =	simm.s32 $0x10;
	[dreg:$0x7] =	wrdreg s0;
	s0 =	simm.s32 $0x2  }
.LBB2_4:
0x15: {  	s5 =	simm.s32 $0x9  }
0x16: {  	_ =	swait.ge [sflag:s5], $0x2000  }
0x17: {  	[sflag:s5] =	ssyncset.done $0x0  }
0x18: {  	s20 =	simm.s32 $0xA;
	[sflag:s5] =	ssyncadd.s32 $0xFFFFE000  }
0x19: {  	_ =	swait.ge [sflag:s20], $0x2000  }
0x1a: {  	[sflag:s20] =	ssyncset.done $0x0  }
0x1b: {  	s22 =	simm.s32 $0xB;
	[sflag:s20] =	ssyncadd.s32 $0xFFFFE000  }
0x1c: {  	_ =	swait.ge [sflag:s22], $0x2000  }
0x1d: {  	[sflag:s22] =	ssyncset.done $0x0  }
0x1e: {  	s23 =	simm.s32 $0xC;
	[sflag:s22] =	ssyncadd.s32 $0xFFFFE000  }
0x1f: {  	_ =	swait.ge [sflag:s23], $0x2000  }
0x20: {  	[sflag:s23] =	ssyncset.done $0x0  }
0x21: {  	s24 =	simm.s32 $0xD;
	[sflag:s23] =	ssyncadd.s32 $0xFFFFE000  }
0x22: {  	_ =	swait.ge [sflag:s24], $0x2000  }
0x23: {  	[sflag:s24] =	ssyncset.done $0x0  }
0x24: {  	[sflag:s24] =	ssyncadd.s32 $0xFFFFE000  }
0x25: {  	_ =	swait.ge [sflag:s28], $0x2000  }
0x26: {  	[sflag:s28] =	ssyncset.done $0x0  }
0x27: {  	[sflag:s28] =	ssyncadd.s32 $0xFFFFE000  }
0x28: {  	_ =	swait.ge [sflag:s29], $0x2000  }
0x29: {  	[sflag:s29] =	ssyncset.done $0x0  }
0x2a: {  	[sflag:s29] =	ssyncadd.s32 $0xFFFFE000  }
0x2b: {  	_ =	swait.ge [sflag:s3], $0x2000  }
0x2c: {  	s4 =	sadd.s32 $0x1, s4;
	s26 =	rddreg [dreg:$0x6]  }
0x2d: {  	p1 =	sne.s32 s4, s26  }
.Ltmp1:
0x2e: {  	_ = 	snop;
	(pc) =	sbr.rel @!p1 .LBB2_5-.Ltmp1, $3  }
0x2f: {  	_ =	sdelay $0x1  }
0x30: {  	[sflag:s3] =	ssyncset.done $0x0  }
0x31: {  	[sflag:s3] =	ssyncadd.s32 $0xFFFFE000  }
.LBB2_1:
0x32: {  	s11 =	rddreg [dreg:$0x4]  }
0x33: {  	s5 =	simm.s32 @!p0 $0x1C11;
	s12 =	rddreg [dreg:$0x7]  }
0x34: {  	[spmem:s12], [sflag:s5] =	dma.local @!p0 [hbm:s11], $0x880  }
0x35: {  	s5 =	simm.s32 @!p0 $0x11  }
0x36: {  	_ =	swait.ge @!p0 [sflag:s5], $0x880  }
0x37: {  	[sflag:s5] =	ssyncset.done @!p0 $0x0  }
0x38: {  	[sflag:s5] =	ssyncadd.s32 @!p0 $0xFFFFF780  }
0x39: {  	[bflag:$0x0] =	sbarrier.arrive $0xFFFF  }
0x3a: {  	s20 =	simm.s32 $0x440;
	s22 =	simm.s32 $0x11;
	s13 =	rddreg [dreg:$0x5]  }
0x3b: {  	[tilespmem:s20], [sflag:$0x11] =	stream.linear.gather [hbm4b:s13+s2], $0x6400, $0x38;
	[tilespmem:$0x16840] =	vst v63  }
0x3c: {  	_ =	swait.ge [sflag:s22], $0x6400  }
0x3d: {  	[sflag:s22] =	ssyncset.done $0x0  }
0x3e: {  	[sflag:s22] =	ssyncadd.s32 $0xFFFF9C00  }
0x3f: {  	[tilespmem:s15], [sflag:$0x1] =	stream.indirect.gather [spmem:s1], $0x80, s20, s14, $0xb8;
	[tilespmem:$0x16840] =	vst v63  }
0x40: {  	s23 =	simm.s32 $0x480  }
0x41: {  	[tilespmem:s17], [sflag:$0x2] =	stream.indirect.gather [spmem:s1], $0x80, s23, s14, $0xb8;
	[tilespmem:$0x16840] =	vst v63  }
0x42: {  	s24 =	simm.s32 $0x4C0;
	s26 =	simm.s32 $0xA840  }
0x43: {  	[tilespmem:s26], [sflag:$0x3] =	stream.indirect.gather [spmem:s1], $0x80, s24, s14, $0xb8;
	[tilespmem:$0x16840] =	vst v63  }
0x44: {  	s12 =	simm.s32 $0x500  }
0x45: {  	[tilespmem:s21], [sflag:$0x4] =	stream.indirect.gather [spmem:s1], $0x80, s12, s14, $0xb8;
	[tilespmem:$0x16840] =	vst v63  }
0x46: {  	s13 =	simm.s32 $0x540;
	s20 =	simm.s32 $0xE840  }
0x47: {  	[tilespmem:s20], [sflag:$0x5] =	stream.indirect.gather [spmem:s1], $0x80, s13, s14, $0xb8;
	[tilespmem:$0x16840] =	vst v63  }
0x48: {  	s22 =	simm.s32 $0x580  }
0x49: {  	[tilespmem:s25], [sflag:$0x6] =	stream.indirect.gather [spmem:s1], $0x80, s22, s14, $0xb8;
	[tilespmem:$0x16840] =	vst v63  }
0x4a: {  	s23 =	simm.s32 $0x5C0;
	s24 =	simm.s32 $0x12840  }
0x4b: {  	[tilespmem:s24], [sflag:$0x7] =	stream.indirect.gather [spmem:s1], $0x80, s23, s14, $0xb8;
	[tilespmem:$0x16840] =	vst v63  }
0x4c: {  	s5 =	simm.s32 $0x640;
	s26 =	simm.s32 $0x600;
	s12 =	simm.s32 $0x0  }
0x4d: {  	[tilespmem:s30], [sflag:$0x8] =	stream.indirect.gather [spmem:s1], $0x80, s26, s14, $0xb8;
	[tilespmem:$0x16840] =	vst v63  }
.LBB2_2:
0x4e: {  	_ =	swait.ge [sflag:s31], $0x2000  }
0x4f: {  	[sflag:s31] =	ssyncset.done $0x0  }
0x50: {  	s11 =	sadd.s32 s12, s9;
	p1 =	seq.s32 s12, $0x62000;
	[sflag:s31] =	ssyncadd.s32 $0xFFFFE000  }
0x51: {  	[hbm4b:s11+s2] =	stream.linear.scatter [tilespmem:s15], [sflag:$0x9], $0x2000, $0x38;
	[tilespmem:$0x16840] =	vst v63  }
0x52: {  	s11 =	simm.s32 @!p1 $0x9  }
0x53: {  	_ =	swait.ge @!p1 [sflag:s11], $0x2000  }
0x54: {  	[sflag:s11] =	ssyncset.done @!p1 $0x0  }
0x55: {  	s13 =	simm.s32 @!p1 $0x6840;
	[sflag:s11] =	ssyncadd.s32 @!p1 $0xFFFFE000;
	s11 =	simm.s32 @!p1 $0x40  }
0x56: {  	[tilespmem:s13], [sflag:$0x1] =	stream.indirect.gather @!p1 [spmem:s1], $0x80, s5, s11, $0xb8;
	[tilespmem:$0x16840] =	vst v63  }
0x57: {  	_ =	swait.ge [sflag:s0], $0x2000  }
0x58: {  	s13 =	sadd.s32 s12, s10;
	[sflag:s0] =	ssyncset.done $0x0  }
0x59: {  	s20 =	sadd.s32 $0x400, s13;
	[sflag:s0] =	ssyncadd.s32 $0xFFFFE000  }
0x5a: {  	[hbm4b:s20+s2] =	stream.linear.scatter [tilespmem:s17], [sflag:$0xA], $0x2000, $0x38;
	[tilespmem:$0x16840] =	vst v63  }
0x5b: {  	s20 =	simm.s32 @p1 $0x3  }
0x5c: {  	_ =	swait.ge @p1 [sflag:s20], $0x2000  }
0x5d: {  	[sflag:s20] =	ssyncset.done @p1 $0x0  }
0x5e: {  	s22 =	simm.s32 @p1 $0xA840;
	[sflag:s20] =	ssyncadd.s32 @p1 $0xFFFFE000;
	s20 =	simm.s32 @p1 $0x0  }
0x5f: {  	[hbm4b:s6+s20] =	stream.linear.scatter @p1 [tilespmem:s22], [sflag:$0xB], $0x2000, $0x38;
	[tilespmem:$0x16840] =	vst v63  }
0x60: {  	s22 =	simm.s32 @!p1 $0xA  }
0x61: {  	_ =	swait.ge @!p1 [sflag:s22], $0x2000  }
0x62: {  	[sflag:s22] =	ssyncset.done @!p1 $0x0  }
0x63: {  	s23 =	simm.s32 @!p1 $0x8840;
	[sflag:s22] =	ssyncadd.s32 @!p1 $0xFFFFE000;
	s22 =	sadd.s32 @!p1 $0x40, s5  }
0x64: {  	[tilespmem:s23], [sflag:$0x2] =	stream.indirect.gather @!p1 [spmem:s1], $0x80, s22, s11, $0xb8;
	[tilespmem:$0x16840] =	vst v63  }
0x65: {  	s22 =	simm.s32 @!p1 $0x3  }
0x66: {  	_ =	swait.ge @!p1 [sflag:s22], $0x2000  }
0x67: {  	[sflag:s22] =	ssyncset.done @!p1 $0x0  }
0x68: {  	[sflag:s22] =	ssyncadd.s32 @!p1 $0xFFFFE000;
	s22 =	sadd.s32 @!p1 s12, s10  }
0x69: {  	s26 =	simm.s32 @!p1 $0xA840;
	s23 =	simm.s32 @!p1 $0x0;
	s24 =	sadd.s32 @!p1 $0x800, s22  }
0x6a: {  	[hbm4b:s24+s23] =	stream.linear.scatter @!p1 [tilespmem:s26], [sflag:$0xB], $0x2000, $0x38;
	[tilespmem:$0x16840] =	vst v63  }
0x6b: {  	s24 =	simm.s32 @!p1 $0xB  }
0x6c: {  	_ =	swait.ge @!p1 [sflag:s24], $0x2000  }
0x6d: {  	[sflag:s24] =	ssyncset.done @!p1 $0x0  }
0x6e: {  	[sflag:s24] =	ssyncadd.s32 @!p1 $0xFFFFE000;
	s24 =	sadd.s32 @!p1 $0x80, s5  }
0x6f: {  	[tilespmem:s26], [sflag:$0x3] =	stream.indirect.gather @!p1 [spmem:s1], $0x80, s24, s11, $0xb8;
	[tilespmem:$0x16840] =	vst v63  }
0x70: {  	_ =	swait.ge [sflag:s16], $0x2000  }
0x71: {  	[sflag:s16] =	ssyncset.done $0x0  }
0x72: {  	s26 =	sadd.s32 $0xC00, s13;
	s24 =	simm.s32 @p1 $0x5;
	[sflag:s16] =	ssyncadd.s32 $0xFFFFE000  }
0x73: {  	[hbm4b:s26+s2] =	stream.linear.scatter [tilespmem:s21], [sflag:$0xC], $0x2000, $0x38;
	[tilespmem:$0x16840] =	vst v63  }
0x74: {  	_ =	swait.ge @p1 [sflag:s24], $0x2000  }
0x75: {  	[sflag:s24] =	ssyncset.done @p1 $0x0  }
0x76: {  	[sflag:s24] =	ssyncadd.s32 @p1 $0xFFFFE000;
	s24 =	simm.s32 @p1 $0xE840  }
0x77: {  	[hbm4b:s7+s20] =	stream.linear.scatter @p1 [tilespmem:s24], [sflag:$0xD], $0x2000, $0x38;
	[tilespmem:$0x16840] =	vst v63  }
0x78: {  	s24 =	simm.s32 @!p1 $0xC  }
0x79: {  	_ =	swait.ge @!p1 [sflag:s24], $0x2000  }
0x7a: {  	[sflag:s24] =	ssyncset.done @!p1 $0x0  }
0x7b: {  	s26 =	simm.s32 @!p1 $0xC840;
	[sflag:s24] =	ssyncadd.s32 @!p1 $0xFFFFE000;
	s24 =	sadd.s32 @!p1 $0xC0, s5  }
0x7c: {  	[tilespmem:s26], [sflag:$0x4] =	stream.indirect.gather @!p1 [spmem:s1], $0x80, s24, s11, $0xb8;
	[tilespmem:$0x16840] =	vst v63  }
0x7d: {  	s24 =	simm.s32 @!p1 $0x5  }
0x7e: {  	_ =	swait.ge @!p1 [sflag:s24], $0x2000  }
0x7f: {  	[sflag:s24] =	ssyncset.done @!p1 $0x0  }
0x80: {  	s26 =	simm.s32 @!p1 $0xE840;
	[sflag:s24] =	ssyncadd.s32 @!p1 $0xFFFFE000;
	s24 =	sadd.s32 @!p1 $0x1000, s22  }
0x81: {  	[hbm4b:s24+s23] =	stream.linear.scatter @!p1 [tilespmem:s26], [sflag:$0xD], $0x2000, $0x38;
	[tilespmem:$0x16840] =	vst v63  }
0x82: {  	s24 =	simm.s32 @!p1 $0xD  }
0x83: {  	_ =	swait.ge @!p1 [sflag:s24], $0x2000  }
0x84: {  	[sflag:s24] =	ssyncset.done @!p1 $0x0  }
0x85: {  	[sflag:s24] =	ssyncadd.s32 @!p1 $0xFFFFE000;
	s24 =	sadd.s32 @!p1 $0x100, s5  }
0x86: {  	[tilespmem:s26], [sflag:$0x5] =	stream.indirect.gather @!p1 [spmem:s1], $0x80, s24, s11, $0xb8;
	[tilespmem:$0x16840] =	vst v63  }
0x87: {  	_ =	swait.ge [sflag:s18], $0x2000  }
0x88: {  	[sflag:s18] =	ssyncset.done $0x0  }
0x89: {  	s26 =	sadd.s32 $0x1400, s13;
	s24 =	simm.s32 @p1 $0x7;
	[sflag:s18] =	ssyncadd.s32 $0xFFFFE000  }
0x8a: {  	[hbm4b:s26+s2] =	stream.linear.scatter [tilespmem:s25], [sflag:$0xE], $0x2000, $0x38;
	[tilespmem:$0x16840] =	vst v63  }
0x8b: {  	_ =	swait.ge @p1 [sflag:s24], $0x2000  }
0x8c: {  	[sflag:s24] =	ssyncset.done @p1 $0x0  }
0x8d: {  	[sflag:s24] =	ssyncadd.s32 @p1 $0xFFFFE000;
	s24 =	simm.s32 @p1 $0x12840  }
0x8e: {  	[hbm4b:s8+s20] =	stream.linear.scatter @p1 [tilespmem:s24], [sflag:$0xF], $0x2000, $0x38;
	[tilespmem:$0x16840] =	vst v63  }
0x8f: {  	s20 =	simm.s32 @!p1 $0xE  }
0x90: {  	_ =	swait.ge @!p1 [sflag:s20], $0x2000  }
0x91: {  	[sflag:s20] =	ssyncset.done @!p1 $0x0  }
0x92: {  	s24 =	simm.s32 @!p1 $0x10840;
	[sflag:s20] =	ssyncadd.s32 @!p1 $0xFFFFE000;
	s20 =	sadd.s32 @!p1 $0x140, s5  }
0x93: {  	[tilespmem:s24], [sflag:$0x6] =	stream.indirect.gather @!p1 [spmem:s1], $0x80, s20, s11, $0xb8;
	[tilespmem:$0x16840] =	vst v63  }
0x94: {  	s20 =	simm.s32 @!p1 $0x7  }
0x95: {  	_ =	swait.ge @!p1 [sflag:s20], $0x2000  }
0x96: {  	[sflag:s20] =	ssyncset.done @!p1 $0x0  }
0x97: {  	[sflag:s20] =	ssyncadd.s32 @!p1 $0xFFFFE000;
	s20 =	sadd.s32 @!p1 $0x1800, s22;
	s22 =	simm.s32 @!p1 $0x12840  }
0x98: {  	[hbm4b:s20+s23] =	stream.linear.scatter @!p1 [tilespmem:s22], [sflag:$0xF], $0x2000, $0x38;
	[tilespmem:$0x16840] =	vst v63  }
0x99: {  	s20 =	simm.s32 @!p1 $0xF  }
0x9a: {  	_ =	swait.ge @!p1 [sflag:s20], $0x2000  }
0x9b: {  	[sflag:s20] =	ssyncset.done @!p1 $0x0  }
0x9c: {  	[sflag:s20] =	ssyncadd.s32 @!p1 $0xFFFFE000;
	s20 =	sadd.s32 @!p1 $0x180, s5  }
0x9d: {  	[tilespmem:s22], [sflag:$0x7] =	stream.indirect.gather @!p1 [spmem:s1], $0x80, s20, s11, $0xb8;
	[tilespmem:$0x16840] =	vst v63  }
.Ltmp2:
0x9e: {  	_ = 	snop;
	(pc) =	sbr.rel @p1 .LBB2_4-.Ltmp2, $4  }
0x9f: {  	_ =	swait.ge [sflag:s19], $0x2000  }
0xa0: {  	[sflag:s19] =	ssyncset.done $0x0  }
0xa1: {  	s26 =	sadd.s32 $0x1C00, s13;
	[sflag:s19] =	ssyncadd.s32 $0xFFFFE000  }
0xa2: {  	[hbm4b:s26+s2] =	stream.linear.scatter [tilespmem:s30], [sflag:$0x10], $0x2000, $0x38;
	[tilespmem:$0x16840] =	vst v63  }
.Ltmp3:
0xa3: {  	(pc) =	sbr.rel .LBB2_2-.Ltmp3, $4  }
0xa4: {  	_ =	swait.ge [sflag:s3], $0x2000  }
0xa5: {  	s11 =	sadd.s32 $0x1C0, s5;
	[sflag:s3] =	ssyncset.done $0x0  }
0xa6: {  	s12 =	sadd.s32 $0x2000, s12;
	s5 =	sadd.s32 $0x200, s5;
	[sflag:s3] =	ssyncadd.s32 $0xFFFFE000  }
0xa7: {  	[tilespmem:s30], [sflag:$0x8] =	stream.indirect.gather [spmem:s1], $0x80, s11, s14, $0xb8;
	[tilespmem:$0x16840] =	vst v63  }
.LBB2_5:
0xa8: {  	_ =	sfence.sel $0x180000  }
0xa9: {  	[bflag:$0x0] =	sbarrier.arrive $0xFFFF  }
0xaa: {  	_ =	strace $0x90000047  }
0xab: {  	[bflag:$0x2] =	sbarrier.arrive $0xFFFF  }
0xac: {  	s0 =	rddreg [dreg:$0x3]  }
0xad: {  	s0 =	sadd.s32 @!p0 $0x100000, s0  }
0xae: {  	[sflag:s0] =	ssyncadd.tile.s32 @!p0 $0x1;
	_ =	shalt  }
.Lfunc_end2:
_tile_overlayer_lowered:
.L_overlay_start_2:
0xaf: {  	(tag) =	ssettag $0x2  }
0xb0: {  	s0 =	rddreg [dreg:$0x0];
	s2 =	stileid.u32  }
0xb1: {  	s1 =	rddreg [dreg:$0x1];
	p0 =	sne.s32 s2, $0x0  }
0xb2: {  	s3 =	rddreg [dreg:$0x2];
	[bflag:$0x3] =	sbarrier.arrive $0xFFFF;
	s2 =	simm.s32 @!p0 $0x1C11  }
0xb3: {  	[timem:s3], [sflag:s2] =	dma.local @!p0 [hbm:s0], s1  }
0xb4: {  	s0 =	simm.s32 @!p0 $0x11  }
0xb5: {  	_ =	swait.ge @!p0 [sflag:s0], s1  }
0xb6: {  	s1 =	ssub.s32 @!p0 $0x0, s1;
	[sflag:s0] =	ssyncset.done @!p0 $0x0  }
0xb7: {  	[sflag:s0] =	ssyncadd.s32 @!p0 s1  }
0xb8: {  	[bflag:$0x3] =	sbarrier.arrive $0xFFFF  }
0xb9: {  	_ =	shalt  }

</sc_bundles>
